<compile_context>
chip_gen: v7x
topology: tpu7x:2x2x1
jax: 0.10.2.dev20260603
libtpu: 0.0.44.dev20260713+nightly
codegen_flags: <defaults>
</compile_context>

<pallas_src>
import functools

import jax
import jax.numpy as jnp
from jax import lax
from jax.experimental import pallas as pl
from jax.experimental.pallas import tpu as pltpu
from jax.experimental.pallas import tpu_sc as plsc

_C = 16
_R = 6


def kernel(S, pe_weight):
    B, T, D = S.shape
    info = plsc.get_sparse_core_info()
    nw = info.num_cores * info.num_subcores
    pos_per_w = T // nw
    n_chunks = pos_per_w // _C
    n_iter = n_chunks * B
    mesh = plsc.VectorSubcoreMesh(core_axis_name="c", subcore_axis_name="s")

    @functools.partial(
        pl.kernel,
        out_type=jax.ShapeDtypeStruct((B, T, D), jnp.float32),
        mesh=mesh,
        scratch_types=[
            pltpu.VMEM((2, _C, D), jnp.float32),
            pltpu.VMEM((_R, _C, D), jnp.float32),
            pltpu.SemaphoreType.DMA((_R,)),
            pltpu.SemaphoreType.DMA((_R,)),
            pltpu.SemaphoreType.DMA((2,)),
        ],
    )
    def sc_add(s_hbm, pe_hbm, out_hbm, pe_buf, s_buf, in_sem, out_sem, pe_sem):
        wid = lax.axis_index("c") * info.num_subcores + lax.axis_index("s")
        base = wid * pos_per_w

        def start_in(j, slot):
            k = j // B
            b = j % B
            return pltpu.async_copy(
                s_hbm.at[b, pl.ds(base + k * _C, _C), :],
                s_buf.at[slot], in_sem.at[slot])

        def start_pe(k):
            return pltpu.async_copy(
                pe_hbm.at[pl.ds(base + k * _C, _C), :],
                pe_buf.at[k % 2], pe_sem.at[k % 2])

        for j0 in range(_R - 1):
            start_in(j0, j0)
        start_pe(0)

        def body(j, carry):
            k = j // B
            b = j % B
            slot = j % _R
            kp = k % 2

            pltpu.make_async_copy(
                s_hbm.at[b, pl.ds(base + k * _C, _C), :],
                s_buf.at[slot], in_sem.at[slot]).wait()

            @pl.when(b == 0)
            def _():
                pltpu.make_async_copy(
                    pe_hbm.at[pl.ds(base + k * _C, _C), :],
                    pe_buf.at[kp], pe_sem.at[kp]).wait()

            @pl.when(jnp.logical_and(b == 1, k + 1 < n_chunks))
            def _():
                start_pe(k + 1)

            @plsc.parallel_loop(0, _C, unroll=2)
            def _(r):
                for g in range(D // 16):
                    v = pe_buf[kp, r, pl.ds(g * 16, 16)]
                    plsc.addupdate(s_buf.at[slot, r, pl.ds(g * 16, 16)], v)

            pltpu.async_copy(
                s_buf.at[slot], out_hbm.at[b, pl.ds(base + k * _C, _C), :],
                out_sem.at[slot])

            @pl.when(j >= 1)
            def _():
                jm = j - 1
                km = jm // B
                bm = jm % B
                pltpu.make_async_copy(
                    s_buf.at[jm % _R],
                    out_hbm.at[bm, pl.ds(base + km * _C, _C), :],
                    out_sem.at[jm % _R]).wait()

            @pl.when(j + _R - 1 < n_iter)
            def _():
                start_in(j + _R - 1, (j + _R - 1) % _R)

            return carry

        lax.fori_loop(0, n_iter, body, 0)

        j = n_iter - 1
        k, b = j // B, j % B
        pltpu.make_async_copy(
            s_buf.at[j % _R], out_hbm.at[b, pl.ds(base + k * _C, _C), :],
            out_sem.at[j % _R]).wait()

    return sc_add(S, pe_weight)

# --- scband reference (transcript-rebuilt; emitter-appended) ---
"""Pipeline reference for scband-temporal-positional-embedding-50019189129226 (READ-ONLY COPY).

The authoritative reference and input builder live on the scoring server;
editing this copy changes nothing except your own understanding.
"""

import jax, jax.numpy as jnp
import numpy as np

MAX_LEN = 8192
D = 768
B = 4
T = 8192

def setup_inputs(seed: int = 0) -> dict:
    key = jax.random.key(seed)
    k1, k2 = jax.random.split(key)
    S = jax.random.normal(k1, (B, T, D), dtype=jnp.float32)
    # nn.Embedding default init: N(0, 1)
    pe_weight = jax.random.normal(k2, (MAX_LEN, D), dtype=jnp.float32)
    return {"S": S, "pe_weight": pe_weight}

def reference(S, pe_weight):
    Bq, Tq, dq = S.shape
    pos = jnp.arange(Tq, dtype=jnp.int64)[None, :]  # [1, T]
    pos = jnp.broadcast_to(pos, (Bq, Tq))           # [B, T]
    emb = jnp.take(pe_weight, pos, axis=0)          # [B, T, d] gather
    return S + emb

if __name__ == "__main__":
    import jax
    _d = setup_inputs()
    print(jax.jit(kernel)(*tuple(_d.values())))

</pallas_src>

<mosaic_0001>
#map = affine_map<(d0, d1) -> (0, 0, 0)>
#map1 = affine_map<(d0, d1) -> (0, 0)>
module attributes {stable_mosaic.version = 14 : i64} {
  func.func @sc_add(%arg0: i32, %arg1: i32, %arg2: memref<4x8192x768xf32, #tpu.memory_space<hbm>>, %arg3: memref<8192x768xf32, #tpu.memory_space<hbm>>, %arg4: memref<4x8192x768xf32, #tpu.memory_space<hbm>>, %arg5: memref<2x16x768xf32, #tpu.memory_space<vmem>>, %arg6: memref<6x16x768xf32, #tpu.memory_space<vmem>>, %arg7: memref<6x!tpu.dma_semaphore, #tpu.memory_space<semaphore_mem>>, %arg8: memref<6x!tpu.dma_semaphore, #tpu.memory_space<semaphore_mem>>, %arg9: memref<2x!tpu.dma_semaphore, #tpu.memory_space<semaphore_mem>>) attributes {dimension_semantics = [#tpu.dimension_semantics<core_parallel>, #tpu.dimension_semantics<subcore_parallel>], iteration_bounds = array<i64: 2, 16>, scalar_prefetch = 0 : i64, scratch_operands = 5 : i64, tpu.core_type = #tpu.core_type<sc_vector_subcore>, window_params = [{transform_indices = #map}, {transform_indices = #map1}, {transform_indices = #map}]} {
    %mul3A = arith.constant 16 : i32
    %mul3A_0 = arith.muli %arg0, %mul3A : i32
    %add3A = arith.addi %mul3A_0, %arg1 : i32
    %mul3A_1 = arith.constant 256 : i32
    %mul3A_2 = arith.muli %add3A, %mul3A_1 : i32
    %add3A_3 = arith.constant 0 : i32
    %add3A_4 = arith.addi %mul3A_2, %add3A_3 : i32
    %dma_start3A = arith.constant 0 : i32
    %dma_start3A_5 = arith.constant 0 : i32
    %dma_start3A_6 = arith.constant 0 : i32
    %dma_start3A_7 = arith.constant 0 : i32
    %dma_start3A_8 = arith.constant 0 : i32
    %dma_start3A_9 = tpu.memref_slice %arg6[%dma_start3A_5, %dma_start3A_7, %dma_start3A_8] : memref<6x16x768xf32, #tpu.memory_space<vmem>> -> memref<1x16x768xf32, #tpu.memory_space<vmem>>
    %dma_start3A_10 = tpu.memref_squeeze %dma_start3A_9 : memref<1x16x768xf32, #tpu.memory_space<vmem>> -> memref<16x768xf32, #tpu.memory_space<vmem>>
    %dma_start3A_11 = arith.constant 0 : i32
    %dma_start3A_12 = tpu.memref_slice %arg2[%dma_start3A, %add3A_4, %dma_start3A_11] : memref<4x8192x768xf32, #tpu.memory_space<hbm>> -> memref<1x16x768xf32, #tpu.memory_space<hbm>>
    %dma_start3A_13 = tpu.memref_squeeze %dma_start3A_12 : memref<1x16x768xf32, #tpu.memory_space<hbm>> -> memref<16x768xf32, #tpu.memory_space<hbm>>
    %dma_start3A_14 = tpu.memref_slice %arg7[%dma_start3A_6] : memref<6x!tpu.dma_semaphore, #tpu.memory_space<semaphore_mem>> -> memref<1x!tpu.dma_semaphore, #tpu.memory_space<semaphore_mem>>
    %dma_start3A_15 = tpu.memref_squeeze %dma_start3A_14 : memref<1x!tpu.dma_semaphore, #tpu.memory_space<semaphore_mem>> -> memref<!tpu.dma_semaphore, #tpu.memory_space<semaphore_mem>>
    %dma_start3A_16 = arith.constant 0 : i32
    %dma_start3A_17 = arith.constant 0 : i32
    %dma_start3A_18 = tpu.memref_slice %arg6[%dma_start3A_5, %dma_start3A_16, %dma_start3A_17] : memref<6x16x768xf32, #tpu.memory_space<vmem>> -> memref<1x16x768xf32, #tpu.memory_space<vmem>>
    %dma_start3A_19 = tpu.memref_squeeze %dma_start3A_18 : memref<1x16x768xf32, #tpu.memory_space<vmem>> -> memref<16x768xf32, #tpu.memory_space<vmem>>
    %dma_start3A_20 = arith.constant 0 : i32
    %dma_start3A_21 = tpu.memref_slice %arg2[%dma_start3A, %add3A_4, %dma_start3A_20] : memref<4x8192x768xf32, #tpu.memory_space<hbm>> -> memref<1x16x768xf32, #tpu.memory_space<hbm>>
    %dma_start3A_22 = tpu.memref_squeeze %dma_start3A_21 : memref<1x16x768xf32, #tpu.memory_space<hbm>> -> memref<16x768xf32, #tpu.memory_space<hbm>>
    tpu.enqueue_dma source(%dma_start3A_22 : memref<16x768xf32, #tpu.memory_space<hbm>>) target(%dma_start3A_19 : memref<16x768xf32, #tpu.memory_space<vmem>>) target_semaphore(%dma_start3A_15 : memref<!tpu.dma_semaphore, #tpu.memory_space<semaphore_mem>>)
    %add3A_23 = arith.constant 0 : i32
    %add3A_24 = arith.addi %mul3A_2, %add3A_23 : i32
    %dma_start3A_25 = arith.constant 1 : i32
    %dma_start3A_26 = arith.constant 1 : i32
    %dma_start3A_27 = arith.constant 1 : i32
    %dma_start3A_28 = arith.constant 0 : i32
    %dma_start3A_29 = arith.constant 0 : i32
    %dma_start3A_30 = tpu.memref_slice %arg6[%dma_start3A_26, %dma_start3A_28, %dma_start3A_29] : memref<6x16x768xf32, #tpu.memory_space<vmem>> -> memref<1x16x768xf32, #tpu.memory_space<vmem>>
    %dma_start3A_31 = tpu.memref_squeeze %dma_start3A_30 : memref<1x16x768xf32, #tpu.memory_space<vmem>> -> memref<16x768xf32, #tpu.memory_space<vmem>>
    %dma_start3A_32 = arith.constant 0 : i32
    %dma_start3A_33 = tpu.memref_slice %arg2[%dma_start3A_25, %add3A_24, %dma_start3A_32] : memref<4x8192x768xf32, #tpu.memory_space<hbm>> -> memref<1x16x768xf32, #tpu.memory_space<hbm>>
    %dma_start3A_34 = tpu.memref_squeeze %dma_start3A_33 : memref<1x16x768xf32, #tpu.memory_space<hbm>> -> memref<16x768xf32, #tpu.memory_space<hbm>>
    %dma_start3A_35 = tpu.memref_slice %arg7[%dma_start3A_27] : memref<6x!tpu.dma_semaphore, #tpu.memory_space<semaphore_mem>> -> memref<1x!tpu.dma_semaphore, #tpu.memory_space<semaphore_mem>>
    %dma_start3A_36 = tpu.memref_squeeze %dma_start3A_35 : memref<1x!tpu.dma_semaphore, #tpu.memory_space<semaphore_mem>> -> memref<!tpu.dma_semaphore, #tpu.memory_space<semaphore_mem>>
    %dma_start3A_37 = arith.constant 0 : i32
    %dma_start3A_38 = arith.constant 0 : i32
    %dma_start3A_39 = tpu.memref_slice %arg6[%dma_start3A_26, %dma_start3A_37, %dma_start3A_38] : memref<6x16x768xf32, #tpu.memory_space<vmem>> -> memref<1x16x768xf32, #tpu.memory_space<vmem>>
    %dma_start3A_40 = tpu.memref_squeeze %dma_start3A_39 : memref<1x16x768xf32, #tpu.memory_space<vmem>> -> memref<16x768xf32, #tpu.memory_space<vmem>>
    %dma_start3A_41 = arith.constant 0 : i32
    %dma_start3A_42 = tpu.memref_slice %arg2[%dma_start3A_25, %add3A_24, %dma_start3A_41] : memref<4x8192x768xf32, #tpu.memory_space<hbm>> -> memref<1x16x768xf32, #tpu.memory_space<hbm>>
    %dma_start3A_43 = tpu.memref_squeeze %dma_start3A_42 : memref<1x16x768xf32, #tpu.memory_space<hbm>> -> memref<16x768xf32, #tpu.memory_space<hbm>>
    tpu.enqueue_dma source(%dma_start3A_43 : memref<16x768xf32, #tpu.memory_space<hbm>>) target(%dma_start3A_40 : memref<16x768xf32, #tpu.memory_space<vmem>>) target_semaphore(%dma_start3A_36 : memref<!tpu.dma_semaphore, #tpu.memory_space<semaphore_mem>>)
    %add3A_44 = arith.constant 0 : i32
    %add3A_45 = arith.addi %mul3A_2, %add3A_44 : i32
    %dma_start3A_46 = arith.constant 2 : i32
    %dma_start3A_47 = arith.constant 2 : i32
    %dma_start3A_48 = arith.constant 2 : i32
    %dma_start3A_49 = arith.constant 0 : i32
    %dma_start3A_50 = arith.constant 0 : i32
    %dma_start3A_51 = tpu.memref_slice %arg6[%dma_start3A_47, %dma_start3A_49, %dma_start3A_50] : memref<6x16x768xf32, #tpu.memory_space<vmem>> -> memref<1x16x768xf32, #tpu.memory_space<vmem>>
    %dma_start3A_52 = tpu.memref_squeeze %dma_start3A_51 : memref<1x16x768xf32, #tpu.memory_space<vmem>> -> memref<16x768xf32, #tpu.memory_space<vmem>>
    %dma_start3A_53 = arith.constant 0 : i32
    %dma_start3A_54 = tpu.memref_slice %arg2[%dma_start3A_46, %add3A_45, %dma_start3A_53] : memref<4x8192x768xf32, #tpu.memory_space<hbm>> -> memref<1x16x768xf32, #tpu.memory_space<hbm>>
    %dma_start3A_55 = tpu.memref_squeeze %dma_start3A_54 : memref<1x16x768xf32, #tpu.memory_space<hbm>> -> memref<16x768xf32, #tpu.memory_space<hbm>>
    %dma_start3A_56 = tpu.memref_slice %arg7[%dma_start3A_48] : memref<6x!tpu.dma_semaphore, #tpu.memory_space<semaphore_mem>> -> memref<1x!tpu.dma_semaphore, #tpu.memory_space<semaphore_mem>>
    %dma_start3A_57 = tpu.memref_squeeze %dma_start3A_56 : memref<1x!tpu.dma_semaphore, #tpu.memory_space<semaphore_mem>> -> memref<!tpu.dma_semaphore, #tpu.memory_space<semaphore_mem>>
    %dma_start3A_58 = arith.constant 0 : i32
    %dma_start3A_59 = arith.constant 0 : i32
    %dma_start3A_60 = tpu.memref_slice %arg6[%dma_start3A_47, %dma_start3A_58, %dma_start3A_59] : memref<6x16x768xf32, #tpu.memory_space<vmem>> -> memref<1x16x768xf32, #tpu.memory_space<vmem>>
    %dma_start3A_61 = tpu.memref_squeeze %dma_start3A_60 : memref<1x16x768xf32, #tpu.memory_space<vmem>> -> memref<16x768xf32, #tpu.memory_space<vmem>>
    %dma_start3A_62 = arith.constant 0 : i32
    %dma_start3A_63 = tpu.memref_slice %arg2[%dma_start3A_46, %add3A_45, %dma_start3A_62] : memref<4x8192x768xf32, #tpu.memory_space<hbm>> -> memref<1x16x768xf32, #tpu.memory_space<hbm>>
    %dma_start3A_64 = tpu.memref_squeeze %dma_start3A_63 : memref<1x16x768xf32, #tpu.memory_space<hbm>> -> memref<16x768xf32, #tpu.memory_space<hbm>>
    tpu.enqueue_dma source(%dma_start3A_64 : memref<16x768xf32, #tpu.memory_space<hbm>>) target(%dma_start3A_61 : memref<16x768xf32, #tpu.memory_space<vmem>>) target_semaphore(%dma_start3A_57 : memref<!tpu.dma_semaphore, #tpu.memory_space<semaphore_mem>>)
    %add3A_65 = arith.constant 0 : i32
    %add3A_66 = arith.addi %mul3A_2, %add3A_65 : i32
    %dma_start3A_67 = arith.constant 3 : i32
    %dma_start3A_68 = arith.constant 3 : i32
    %dma_start3A_69 = arith.constant 3 : i32
    %dma_start3A_70 = arith.constant 0 : i32
    %dma_start3A_71 = arith.constant 0 : i32
    %dma_start3A_72 = tpu.memref_slice %arg6[%dma_start3A_68, %dma_start3A_70, %dma_start3A_71] : memref<6x16x768xf32, #tpu.memory_space<vmem>> -> memref<1x16x768xf32, #tpu.memory_space<vmem>>
    %dma_start3A_73 = tpu.memref_squeeze %dma_start3A_72 : memref<1x16x768xf32, #tpu.memory_space<vmem>> -> memref<16x768xf32, #tpu.memory_space<vmem>>
    %dma_start3A_74 = arith.constant 0 : i32
    %dma_start3A_75 = tpu.memref_slice %arg2[%dma_start3A_67, %add3A_66, %dma_start3A_74] : memref<4x8192x768xf32, #tpu.memory_space<hbm>> -> memref<1x16x768xf32, #tpu.memory_space<hbm>>
    %dma_start3A_76 = tpu.memref_squeeze %dma_start3A_75 : memref<1x16x768xf32, #tpu.memory_space<hbm>> -> memref<16x768xf32, #tpu.memory_space<hbm>>
    %dma_start3A_77 = tpu.memref_slice %arg7[%dma_start3A_69] : memref<6x!tpu.dma_semaphore, #tpu.memory_space<semaphore_mem>> -> memref<1x!tpu.dma_semaphore, #tpu.memory_space<semaphore_mem>>
    %dma_start3A_78 = tpu.memref_squeeze %dma_start3A_77 : memref<1x!tpu.dma_semaphore, #tpu.memory_space<semaphore_mem>> -> memref<!tpu.dma_semaphore, #tpu.memory_space<semaphore_mem>>
    %dma_start3A_79 = arith.constant 0 : i32
    %dma_start3A_80 = arith.constant 0 : i32
    %dma_start3A_81 = tpu.memref_slice %arg6[%dma_start3A_68, %dma_start3A_79, %dma_start3A_80] : memref<6x16x768xf32, #tpu.memory_space<vmem>> -> memref<1x16x768xf32, #tpu.memory_space<vmem>>
    %dma_start3A_82 = tpu.memref_squeeze %dma_start3A_81 : memref<1x16x768xf32, #tpu.memory_space<vmem>> -> memref<16x768xf32, #tpu.memory_space<vmem>>
    %dma_start3A_83 = arith.constant 0 : i32
    %dma_start3A_84 = tpu.memref_slice %arg2[%dma_start3A_67, %add3A_66, %dma_start3A_83] : memref<4x8192x768xf32, #tpu.memory_space<hbm>> -> memref<1x16x768xf32, #tpu.memory_space<hbm>>
    %dma_start3A_85 = tpu.memref_squeeze %dma_start3A_84 : memref<1x16x768xf32, #tpu.memory_space<hbm>> -> memref<16x768xf32, #tpu.memory_space<hbm>>
    tpu.enqueue_dma source(%dma_start3A_85 : memref<16x768xf32, #tpu.memory_space<hbm>>) target(%dma_start3A_82 : memref<16x768xf32, #tpu.memory_space<vmem>>) target_semaphore(%dma_start3A_78 : memref<!tpu.dma_semaphore, #tpu.memory_space<semaphore_mem>>)
    %add3A_86 = arith.constant 16 : i32
    %add3A_87 = arith.addi %mul3A_2, %add3A_86 : i32
    %dma_start3A_88 = arith.constant 0 : i32
    %dma_start3A_89 = arith.constant 4 : i32
    %dma_start3A_90 = arith.constant 4 : i32
    %dma_start3A_91 = arith.constant 0 : i32
    %dma_start3A_92 = arith.constant 0 : i32
    %dma_start3A_93 = tpu.memref_slice %arg6[%dma_start3A_89, %dma_start3A_91, %dma_start3A_92] : memref<6x16x768xf32, #tpu.memory_space<vmem>> -> memref<1x16x768xf32, #tpu.memory_space<vmem>>
    %dma_start3A_94 = tpu.memref_squeeze %dma_start3A_93 : memref<1x16x768xf32, #tpu.memory_space<vmem>> -> memref<16x768xf32, #tpu.memory_space<vmem>>
    %dma_start3A_95 = arith.constant 0 : i32
    %dma_start3A_96 = tpu.memref_slice %arg2[%dma_start3A_88, %add3A_87, %dma_start3A_95] : memref<4x8192x768xf32, #tpu.memory_space<hbm>> -> memref<1x16x768xf32, #tpu.memory_space<hbm>>
    %dma_start3A_97 = tpu.memref_squeeze %dma_start3A_96 : memref<1x16x768xf32, #tpu.memory_space<hbm>> -> memref<16x768xf32, #tpu.memory_space<hbm>>
    %dma_start3A_98 = tpu.memref_slice %arg7[%dma_start3A_90] : memref<6x!tpu.dma_semaphore, #tpu.memory_space<semaphore_mem>> -> memref<1x!tpu.dma_semaphore, #tpu.memory_space<semaphore_mem>>
    %dma_start3A_99 = tpu.memref_squeeze %dma_start3A_98 : memref<1x!tpu.dma_semaphore, #tpu.memory_space<semaphore_mem>> -> memref<!tpu.dma_semaphore, #tpu.memory_space<semaphore_mem>>
    %dma_start3A_100 = arith.constant 0 : i32
    %dma_start3A_101 = arith.constant 0 : i32
    %dma_start3A_102 = tpu.memref_slice %arg6[%dma_start3A_89, %dma_start3A_100, %dma_start3A_101] : memref<6x16x768xf32, #tpu.memory_space<vmem>> -> memref<1x16x768xf32, #tpu.memory_space<vmem>>
    %dma_start3A_103 = tpu.memref_squeeze %dma_start3A_102 : memref<1x16x768xf32, #tpu.memory_space<vmem>> -> memref<16x768xf32, #tpu.memory_space<vmem>>
    %dma_start3A_104 = arith.constant 0 : i32
    %dma_start3A_105 = tpu.memref_slice %arg2[%dma_start3A_88, %add3A_87, %dma_start3A_104] : memref<4x8192x768xf32, #tpu.memory_space<hbm>> -> memref<1x16x768xf32, #tpu.memory_space<hbm>>
    %dma_start3A_106 = tpu.memref_squeeze %dma_start3A_105 : memref<1x16x768xf32, #tpu.memory_space<hbm>> -> memref<16x768xf32, #tpu.memory_space<hbm>>
    tpu.enqueue_dma source(%dma_start3A_106 : memref<16x768xf32, #tpu.memory_space<hbm>>) target(%dma_start3A_103 : memref<16x768xf32, #tpu.memory_space<vmem>>) target_semaphore(%dma_start3A_99 : memref<!tpu.dma_semaphore, #tpu.memory_space<semaphore_mem>>)
    %add3A_107 = arith.constant 0 : i32
    %add3A_108 = arith.addi %mul3A_2, %add3A_107 : i32
    %dma_start3A_109 = arith.constant 0 : i32
    %dma_start3A_110 = arith.constant 0 : i32
    %dma_start3A_111 = arith.constant 0 : i32
    %dma_start3A_112 = arith.constant 0 : i32
    %dma_start3A_113 = tpu.memref_slice %arg5[%dma_start3A_109, %dma_start3A_111, %dma_start3A_112] : memref<2x16x768xf32, #tpu.memory_space<vmem>> -> memref<1x16x768xf32, #tpu.memory_space<vmem>>
    %dma_start3A_114 = tpu.memref_squeeze %dma_start3A_113 : memref<1x16x768xf32, #tpu.memory_space<vmem>> -> memref<16x768xf32, #tpu.memory_space<vmem>>
    %dma_start3A_115 = arith.constant 0 : i32
    %dma_start3A_116 = tpu.memref_slice %arg3[%add3A_108, %dma_start3A_115] : memref<8192x768xf32, #tpu.memory_space<hbm>> -> memref<16x768xf32, #tpu.memory_space<hbm>>
    %dma_start3A_117 = tpu.memref_slice %arg9[%dma_start3A_110] : memref<2x!tpu.dma_semaphore, #tpu.memory_space<semaphore_mem>> -> memref<1x!tpu.dma_semaphore, #tpu.memory_space<semaphore_mem>>
    %dma_start3A_118 = tpu.memref_squeeze %dma_start3A_117 : memref<1x!tpu.dma_semaphore, #tpu.memory_space<semaphore_mem>> -> memref<!tpu.dma_semaphore, #tpu.memory_space<semaphore_mem>>
    %dma_start3A_119 = arith.constant 0 : i32
    %dma_start3A_120 = arith.constant 0 : i32
    %dma_start3A_121 = tpu.memref_slice %arg5[%dma_start3A_109, %dma_start3A_119, %dma_start3A_120] : memref<2x16x768xf32, #tpu.memory_space<vmem>> -> memref<1x16x768xf32, #tpu.memory_space<vmem>>
    %dma_start3A_122 = tpu.memref_squeeze %dma_start3A_121 : memref<1x16x768xf32, #tpu.memory_space<vmem>> -> memref<16x768xf32, #tpu.memory_space<vmem>>
    %dma_start3A_123 = arith.constant 0 : i32
    %dma_start3A_124 = tpu.memref_slice %arg3[%add3A_108, %dma_start3A_123] : memref<8192x768xf32, #tpu.memory_space<hbm>> -> memref<16x768xf32, #tpu.memory_space<hbm>>
    tpu.enqueue_dma source(%dma_start3A_124 : memref<16x768xf32, #tpu.memory_space<hbm>>) target(%dma_start3A_122 : memref<16x768xf32, #tpu.memory_space<vmem>>) target_semaphore(%dma_start3A_118 : memref<!tpu.dma_semaphore, #tpu.memory_space<semaphore_mem>>)
    %scan3A = arith.constant 0 : i32
    %scan3A_125 = arith.constant 0 : i32
    %scan3A_126 = arith.constant 64 : i32
    %scan3A_127 = arith.addi %scan3A_125, %scan3A_126 : i32
    %scan3A_128 = arith.constant 1 : i32
    scf.for %scan3A_150 = %scan3A_125 to %scan3A_127 step %scan3A_128  : i32 {
      %jit3A = arith.constant 4 : i32
      %div3A = arith.divsi %scan3A_150, %jit3A : i32
      %sign3A = arith.constant 0 : i32
      %sign3A_151 = arith.cmpi sgt, %scan3A_150, %sign3A : i32
      %sign3A_152 = arith.extui %sign3A_151 : i1 to i32
      %sign3A_153 = arith.constant 0 : i32
      %sign3A_154 = arith.cmpi slt, %scan3A_150, %sign3A_153 : i32
      %sign3A_155 = arith.extui %sign3A_154 : i1 to i32
      %sign3A_156 = arith.subi %sign3A_152, %sign3A_155 : i32
      %sign3A_157 = arith.constant 0 : i32
      %sign3A_158 = arith.cmpi sgt, %jit3A, %sign3A_157 : i32
      %sign3A_159 = arith.extui %sign3A_158 : i1 to i32
      %sign3A_160 = arith.constant 0 : i32
      %sign3A_161 = arith.cmpi slt, %jit3A, %sign3A_160 : i32
      %sign3A_162 = arith.extui %sign3A_161 : i1 to i32
      %sign3A_163 = arith.subi %sign3A_159, %sign3A_162 : i32
      %ne3A = arith.cmpi ne, %sign3A_156, %sign3A_163 : i32
      %rem3A = arith.remsi %scan3A_150, %jit3A : i32
      %ne3A_164 = arith.constant 0 : i32
      %ne3A_165 = arith.cmpi ne, %rem3A, %ne3A_164 : i32
      %and3A = arith.andi %ne3A, %ne3A_165 : i1
      %sub3A = arith.constant 1 : i32
      %sub3A_166 = arith.subi %div3A, %sub3A : i32
      %select_n3A = arith.select %and3A, %sub3A_166, %div3A : i32
      %jit3A_167 = arith.constant 4 : i32
      %eq3A = arith.constant 0 : i32
      %eq3A_168 = arith.cmpi eq, %jit3A_167, %eq3A : i32
      %jit3A_169 = arith.constant 1 : i32
      %select_n3A_170 = arith.select %eq3A_168, %jit3A_169, %jit3A_167 : i32
      %rem3A_171 = arith.remsi %scan3A_150, %select_n3A_170 : i32
      %ne3A_172 = arith.constant 0 : i32
      %ne3A_173 = arith.cmpi ne, %rem3A_171, %ne3A_172 : i32
      %lt3A = arith.constant 0 : i32
      %lt3A_174 = arith.cmpi slt, %rem3A_171, %lt3A : i32
      %lt3A_175 = arith.constant 0 : i32
      %lt3A_176 = arith.cmpi slt, %select_n3A_170, %lt3A_175 : i32
      %ne3A_177 = arith.xori %lt3A_174, %lt3A_176 : i1
      %and3A_178 = arith.andi %ne3A_177, %ne3A_173 : i1
      %add3A_179 = arith.addi %rem3A_171, %select_n3A_170 : i32
      %select_n3A_180 = arith.select %and3A_178, %add3A_179, %rem3A_171 : i32
      %jit3A_181 = arith.constant 6 : i32
      %eq3A_182 = arith.constant 0 : i32
      %eq3A_183 = arith.cmpi eq, %jit3A_181, %eq3A_182 : i32
      %jit3A_184 = arith.constant 1 : i32
      %select_n3A_185 = arith.select %eq3A_183, %jit3A_184, %jit3A_181 : i32
      %rem3A_186 = arith.remsi %scan3A_150, %select_n3A_185 : i32
      %ne3A_187 = arith.constant 0 : i32
      %ne3A_188 = arith.cmpi ne, %rem3A_186, %ne3A_187 : i32
      %lt3A_189 = arith.constant 0 : i32
      %lt3A_190 = arith.cmpi slt, %rem3A_186, %lt3A_189 : i32
      %lt3A_191 = arith.constant 0 : i32
      %lt3A_192 = arith.cmpi slt, %select_n3A_185, %lt3A_191 : i32
      %ne3A_193 = arith.xori %lt3A_190, %lt3A_192 : i1
      %and3A_194 = arith.andi %ne3A_193, %ne3A_188 : i1
      %add3A_195 = arith.addi %rem3A_186, %select_n3A_185 : i32
      %select_n3A_196 = arith.select %and3A_194, %add3A_195, %rem3A_186 : i32
      %jit3A_197 = arith.constant 2 : i32
      %eq3A_198 = arith.constant 0 : i32
      %eq3A_199 = arith.cmpi eq, %jit3A_197, %eq3A_198 : i32
      %jit3A_200 = arith.constant 1 : i32
      %select_n3A_201 = arith.select %eq3A_199, %jit3A_200, %jit3A_197 : i32
      %rem3A_202 = arith.remsi %select_n3A, %select_n3A_201 : i32
      %ne3A_203 = arith.constant 0 : i32
      %ne3A_204 = arith.cmpi ne, %rem3A_202, %ne3A_203 : i32
      %lt3A_205 = arith.constant 0 : i32
      %lt3A_206 = arith.cmpi slt, %rem3A_202, %lt3A_205 : i32
      %lt3A_207 = arith.constant 0 : i32
      %lt3A_208 = arith.cmpi slt, %select_n3A_201, %lt3A_207 : i32
      %ne3A_209 = arith.xori %lt3A_206, %lt3A_208 : i1
      %and3A_210 = arith.andi %ne3A_209, %ne3A_204 : i1
      %add3A_211 = arith.addi %rem3A_202, %select_n3A_201 : i32
      %select_n3A_212 = arith.select %and3A_210, %add3A_211, %rem3A_202 : i32
      %mul3A_213 = arith.constant 16 : i32
      %mul3A_214 = arith.muli %select_n3A, %mul3A_213 : i32
      %add3A_215 = arith.addi %mul3A_2, %mul3A_214 : i32
      %dma_wait3A_216 = arith.constant 0 : i32
      %dma_wait3A_217 = arith.constant 0 : i32
      %dma_wait3A_218 = tpu.memref_slice %arg6[%select_n3A_196, %dma_wait3A_216, %dma_wait3A_217] : memref<6x16x768xf32, #tpu.memory_space<vmem>> -> memref<1x16x768xf32, #tpu.memory_space<vmem>>
      %dma_wait3A_219 = tpu.memref_squeeze %dma_wait3A_218 : memref<1x16x768xf32, #tpu.memory_space<vmem>> -> memref<16x768xf32, #tpu.memory_space<vmem>>
      %dma_wait3A_220 = arith.constant 0 : i32
      %dma_wait3A_221 = tpu.memref_slice %arg2[%select_n3A_180, %add3A_215, %dma_wait3A_220] : memref<4x8192x768xf32, #tpu.memory_space<hbm>> -> memref<1x16x768xf32, #tpu.memory_space<hbm>>
      %dma_wait3A_222 = tpu.memref_squeeze %dma_wait3A_221 : memref<1x16x768xf32, #tpu.memory_space<hbm>> -> memref<16x768xf32, #tpu.memory_space<hbm>>
      %dma_wait3A_223 = tpu.memref_slice %arg7[%select_n3A_196] : memref<6x!tpu.dma_semaphore, #tpu.memory_space<semaphore_mem>> -> memref<1x!tpu.dma_semaphore, #tpu.memory_space<semaphore_mem>>
      %dma_wait3A_224 = tpu.memref_squeeze %dma_wait3A_223 : memref<1x!tpu.dma_semaphore, #tpu.memory_space<semaphore_mem>> -> memref<!tpu.dma_semaphore, #tpu.memory_space<semaphore_mem>>
      %dma_wait3A_225 = arith.constant 0 : i32
      %dma_wait3A_226 = arith.constant 0 : i32
      %dma_wait3A_227 = tpu.memref_slice %arg6[%select_n3A_196, %dma_wait3A_225, %dma_wait3A_226] : memref<6x16x768xf32, #tpu.memory_space<vmem>> -> memref<1x16x768xf32, #tpu.memory_space<vmem>>
      %dma_wait3A_228 = tpu.memref_squeeze %dma_wait3A_227 : memref<1x16x768xf32, #tpu.memory_space<vmem>> -> memref<16x768xf32, #tpu.memory_space<vmem>>
      %dma_wait3A_229 = arith.constant 0 : i32
      %dma_wait3A_230 = tpu.memref_slice %arg2[%select_n3A_180, %add3A_215, %dma_wait3A_229] : memref<4x8192x768xf32, #tpu.memory_space<hbm>> -> memref<1x16x768xf32, #tpu.memory_space<hbm>>
      %dma_wait3A_231 = tpu.memref_squeeze %dma_wait3A_230 : memref<1x16x768xf32, #tpu.memory_space<hbm>> -> memref<16x768xf32, #tpu.memory_space<hbm>>
      tpu.wait_dma2 semaphore(%dma_wait3A_224 : memref<!tpu.dma_semaphore, #tpu.memory_space<semaphore_mem>>) src(%dma_wait3A_231 : memref<16x768xf32, #tpu.memory_space<hbm>>) dst(%dma_wait3A_228 : memref<16x768xf32, #tpu.memory_space<vmem>>)
      %eq3A_232 = arith.constant 0 : i32
      %eq3A_233 = arith.cmpi eq, %select_n3A_180, %eq3A_232 : i32
      %convert_element_type3A = arith.extui %eq3A_233 : i1 to i32
      %cond3A = arith.constant 0 : i32
      %cond3A_234 = arith.cmpi ne, %convert_element_type3A, %cond3A : i32
      scf.if %cond3A_234 {
        %mul3A_279 = arith.constant 16 : i32
        %mul3A_280 = arith.muli %select_n3A, %mul3A_279 : i32
        %add3A_281 = arith.addi %mul3A_2, %mul3A_280 : i32
        %dma_wait3A_282 = arith.constant 0 : i32
        %dma_wait3A_283 = arith.constant 0 : i32
        %dma_wait3A_284 = tpu.memref_slice %arg5[%select_n3A_212, %dma_wait3A_282, %dma_wait3A_283] : memref<2x16x768xf32, #tpu.memory_space<vmem>> -> memref<1x16x768xf32, #tpu.memory_space<vmem>>
        %dma_wait3A_285 = tpu.memref_squeeze %dma_wait3A_284 : memref<1x16x768xf32, #tpu.memory_space<vmem>> -> memref<16x768xf32, #tpu.memory_space<vmem>>
        %dma_wait3A_286 = arith.constant 0 : i32
        %dma_wait3A_287 = tpu.memref_slice %arg3[%add3A_281, %dma_wait3A_286] : memref<8192x768xf32, #tpu.memory_space<hbm>> -> memref<16x768xf32, #tpu.memory_space<hbm>>
        %dma_wait3A_288 = tpu.memref_slice %arg9[%select_n3A_212] : memref<2x!tpu.dma_semaphore, #tpu.memory_space<semaphore_mem>> -> memref<1x!tpu.dma_semaphore, #tpu.memory_space<semaphore_mem>>
        %dma_wait3A_289 = tpu.memref_squeeze %dma_wait3A_288 : memref<1x!tpu.dma_semaphore, #tpu.memory_space<semaphore_mem>> -> memref<!tpu.dma_semaphore, #tpu.memory_space<semaphore_mem>>
        %dma_wait3A_290 = arith.constant 0 : i32
        %dma_wait3A_291 = arith.constant 0 : i32
        %dma_wait3A_292 = tpu.memref_slice %arg5[%select_n3A_212, %dma_wait3A_290, %dma_wait3A_291] : memref<2x16x768xf32, #tpu.memory_space<vmem>> -> memref<1x16x768xf32, #tpu.memory_space<vmem>>
        %dma_wait3A_293 = tpu.memref_squeeze %dma_wait3A_292 : memref<1x16x768xf32, #tpu.memory_space<vmem>> -> memref<16x768xf32, #tpu.memory_space<vmem>>
        %dma_wait3A_294 = arith.constant 0 : i32
        %dma_wait3A_295 = tpu.memref_slice %arg3[%add3A_281, %dma_wait3A_294] : memref<8192x768xf32, #tpu.memory_space<hbm>> -> memref<16x768xf32, #tpu.memory_space<hbm>>
        tpu.wait_dma2 semaphore(%dma_wait3A_289 : memref<!tpu.dma_semaphore, #tpu.memory_space<semaphore_mem>>) src(%dma_wait3A_295 : memref<16x768xf32, #tpu.memory_space<hbm>>) dst(%dma_wait3A_293 : memref<16x768xf32, #tpu.memory_space<vmem>>)
      } else {
      }
      %eq3A_235 = arith.constant 1 : i32
      %eq3A_236 = arith.cmpi eq, %select_n3A_180, %eq3A_235 : i32
      %add3A_237 = arith.constant 1 : i32
      %add3A_238 = arith.addi %select_n3A, %add3A_237 : i32
      %lt3A_239 = arith.constant 16 : i32
      %lt3A_240 = arith.cmpi slt, %add3A_238, %lt3A_239 : i32
      %and3A_241 = arith.andi %eq3A_236, %lt3A_240 : i1
      %convert_element_type3A_242 = arith.extui %and3A_241 : i1 to i32
      %cond3A_243 = arith.constant 0 : i32
      %cond3A_244 = arith.cmpi ne, %convert_element_type3A_242, %cond3A_243 : i32
      scf.if %cond3A_244 {
        %add3A_279 = arith.constant 1 : i32
        %add3A_280 = arith.addi %select_n3A, %add3A_279 : i32
        %mul3A_281 = arith.constant 16 : i32
        %mul3A_282 = arith.muli %add3A_280, %mul3A_281 : i32
        %add3A_283 = arith.addi %mul3A_2, %mul3A_282 : i32
        %jit3A_284 = arith.constant 2 : i32
        %eq3A_285 = arith.constant 0 : i32
        %eq3A_286 = arith.cmpi eq, %jit3A_284, %eq3A_285 : i32
        %jit3A_287 = arith.constant 1 : i32
        %select_n3A_288 = arith.select %eq3A_286, %jit3A_287, %jit3A_284 : i32
        %rem3A_289 = arith.remsi %add3A_280, %select_n3A_288 : i32
        %ne3A_290 = arith.constant 0 : i32
        %ne3A_291 = arith.cmpi ne, %rem3A_289, %ne3A_290 : i32
        %lt3A_292 = arith.constant 0 : i32
        %lt3A_293 = arith.cmpi slt, %rem3A_289, %lt3A_292 : i32
        %lt3A_294 = arith.constant 0 : i32
        %lt3A_295 = arith.cmpi slt, %select_n3A_288, %lt3A_294 : i32
        %ne3A_296 = arith.xori %lt3A_293, %lt3A_295 : i1
        %and3A_297 = arith.andi %ne3A_296, %ne3A_291 : i1
        %add3A_298 = arith.addi %rem3A_289, %select_n3A_288 : i32
        %select_n3A_299 = arith.select %and3A_297, %add3A_298, %rem3A_289 : i32
        %jit3A_300 = arith.constant 2 : i32
        %eq3A_301 = arith.constant 0 : i32
        %eq3A_302 = arith.cmpi eq, %jit3A_300, %eq3A_301 : i32
        %jit3A_303 = arith.constant 1 : i32
        %select_n3A_304 = arith.select %eq3A_302, %jit3A_303, %jit3A_300 : i32
        %rem3A_305 = arith.remsi %add3A_280, %select_n3A_304 : i32
        %ne3A_306 = arith.constant 0 : i32
        %ne3A_307 = arith.cmpi ne, %rem3A_305, %ne3A_306 : i32
        %lt3A_308 = arith.constant 0 : i32
        %lt3A_309 = arith.cmpi slt, %rem3A_305, %lt3A_308 : i32
        %lt3A_310 = arith.constant 0 : i32
        %lt3A_311 = arith.cmpi slt, %select_n3A_304, %lt3A_310 : i32
        %ne3A_312 = arith.xori %lt3A_309, %lt3A_311 : i1
        %and3A_313 = arith.andi %ne3A_312, %ne3A_307 : i1
        %add3A_314 = arith.addi %rem3A_305, %select_n3A_304 : i32
        %select_n3A_315 = arith.select %and3A_313, %add3A_314, %rem3A_305 : i32
        %dma_start3A_316 = arith.constant 0 : i32
        %dma_start3A_317 = arith.constant 0 : i32
        %dma_start3A_318 = tpu.memref_slice %arg5[%select_n3A_299, %dma_start3A_316, %dma_start3A_317] : memref<2x16x768xf32, #tpu.memory_space<vmem>> -> memref<1x16x768xf32, #tpu.memory_space<vmem>>
        %dma_start3A_319 = tpu.memref_squeeze %dma_start3A_318 : memref<1x16x768xf32, #tpu.memory_space<vmem>> -> memref<16x768xf32, #tpu.memory_space<vmem>>
        %dma_start3A_320 = arith.constant 0 : i32
        %dma_start3A_321 = tpu.memref_slice %arg3[%add3A_283, %dma_start3A_320] : memref<8192x768xf32, #tpu.memory_space<hbm>> -> memref<16x768xf32, #tpu.memory_space<hbm>>
        %dma_start3A_322 = tpu.memref_slice %arg9[%select_n3A_315] : memref<2x!tpu.dma_semaphore, #tpu.memory_space<semaphore_mem>> -> memref<1x!tpu.dma_semaphore, #tpu.memory_space<semaphore_mem>>
        %dma_start3A_323 = tpu.memref_squeeze %dma_start3A_322 : memref<1x!tpu.dma_semaphore, #tpu.memory_space<semaphore_mem>> -> memref<!tpu.dma_semaphore, #tpu.memory_space<semaphore_mem>>
        %dma_start3A_324 = arith.constant 0 : i32
        %dma_start3A_325 = arith.constant 0 : i32
        %dma_start3A_326 = tpu.memref_slice %arg5[%select_n3A_299, %dma_start3A_324, %dma_start3A_325] : memref<2x16x768xf32, #tpu.memory_space<vmem>> -> memref<1x16x768xf32, #tpu.memory_space<vmem>>
        %dma_start3A_327 = tpu.memref_squeeze %dma_start3A_326 : memref<1x16x768xf32, #tpu.memory_space<vmem>> -> memref<16x768xf32, #tpu.memory_space<vmem>>
        %dma_start3A_328 = arith.constant 0 : i32
        %dma_start3A_329 = tpu.memref_slice %arg3[%add3A_283, %dma_start3A_328] : memref<8192x768xf32, #tpu.memory_space<hbm>> -> memref<16x768xf32, #tpu.memory_space<hbm>>
        tpu.enqueue_dma source(%dma_start3A_329 : memref<16x768xf32, #tpu.memory_space<hbm>>) target(%dma_start3A_327 : memref<16x768xf32, #tpu.memory_space<vmem>>) target_semaphore(%dma_start3A_323 : memref<!tpu.dma_semaphore, #tpu.memory_space<semaphore_mem>>)
      } else {
      }
      %parallel_loop3A = arith.constant 0 : i32
      %parallel_loop3A_245 = arith.constant 16 : i32
      %parallel_loop3A_246 = arith.constant 1 : i32
      scf.for %parallel_loop3A_279 = %parallel_loop3A to %parallel_loop3A_245 step %parallel_loop3A_246  : i32 {
        %parallel_loop3A_280 = arith.index_cast %select_n3A_212 : i32 to index
        %parallel_loop3A_281 = arith.index_cast %parallel_loop3A_279 : i32 to index
        %parallel_loop3A_282 = arith.constant 0 : index
        %parallel_loop3A_283 = tpu.vector_load %arg5[%parallel_loop3A_280, %parallel_loop3A_281, %parallel_loop3A_282] {strides = array<i32>} : memref<2x16x768xf32, #tpu.memory_space<vmem>>, vector<1x1x16xf32>,
        %parallel_loop3A_284 = vector.shape_cast %parallel_loop3A_283 : vector<1x1x16xf32> to vector<16xf32>
        %parallel_loop3A_285 = arith.index_cast %select_n3A_196 : i32 to index
        %parallel_loop3A_286 = arith.index_cast %parallel_loop3A_279 : i32 to index
        %parallel_loop3A_287 = arith.constant 0 : index
        %parallel_loop3A_288 = tpu.vector_load %arg6[%parallel_loop3A_285, %parallel_loop3A_286, %parallel_loop3A_287] {strides = array<i32>} : memref<6x16x768xf32, #tpu.memory_space<vmem>>, vector<1x1x16xf32>,
        %parallel_loop3A_289 = vector.shape_cast %parallel_loop3A_288 : vector<1x1x16xf32> to vector<16xf32>
        %parallel_loop3A_290 = vector.shape_cast %parallel_loop3A_284 : vector<16xf32> to vector<1x1x16xf32>
        tpu.vector_store %arg6[%parallel_loop3A_285, %parallel_loop3A_286, %parallel_loop3A_287], %parallel_loop3A_290 {add = true, strides = array<i32>} : memref<6x16x768xf32, #tpu.memory_space<vmem>>, vector<1x1x16xf32>,
        %parallel_loop3A_291 = arith.index_cast %select_n3A_212 : i32 to index
        %parallel_loop3A_292 = arith.index_cast %parallel_loop3A_279 : i32 to index
        %parallel_loop3A_293 = arith.constant 16 : index
        %parallel_loop3A_294 = tpu.vector_load %arg5[%parallel_loop3A_291, %parallel_loop3A_292, %parallel_loop3A_293] {strides = array<i32>} : memref<2x16x768xf32, #tpu.memory_space<vmem>>, vector<1x1x16xf32>,
        %parallel_loop3A_295 = vector.shape_cast %parallel_loop3A_294 : vector<1x1x16xf32> to vector<16xf32>
        %parallel_loop3A_296 = arith.index_cast %select_n3A_196 : i32 to index
        %parallel_loop3A_297 = arith.index_cast %parallel_loop3A_279 : i32 to index
        %parallel_loop3A_298 = arith.constant 16 : index
        %parallel_loop3A_299 = tpu.vector_load %arg6[%parallel_loop3A_296, %parallel_loop3A_297, %parallel_loop3A_298] {strides = array<i32>} : memref<6x16x768xf32, #tpu.memory_space<vmem>>, vector<1x1x16xf32>,
        %parallel_loop3A_300 = vector.shape_cast %parallel_loop3A_299 : vector<1x1x16xf32> to vector<16xf32>
        %parallel_loop3A_301 = vector.shape_cast %parallel_loop3A_295 : vector<16xf32> to vector<1x1x16xf32>
        tpu.vector_store %arg6[%parallel_loop3A_296, %parallel_loop3A_297, %parallel_loop3A_298], %parallel_loop3A_301 {add = true, strides = array<i32>} : memref<6x16x768xf32, #tpu.memory_space<vmem>>, vector<1x1x16xf32>,
        %parallel_loop3A_302 = arith.index_cast %select_n3A_212 : i32 to index
        %parallel_loop3A_303 = arith.index_cast %parallel_loop3A_279 : i32 to index
        %parallel_loop3A_304 = arith.constant 32 : index
        %parallel_loop3A_305 = tpu.vector_load %arg5[%parallel_loop3A_302, %parallel_loop3A_303, %parallel_loop3A_304] {strides = array<i32>} : memref<2x16x768xf32, #tpu.memory_space<vmem>>, vector<1x1x16xf32>,
        %parallel_loop3A_306 = vector.shape_cast %parallel_loop3A_305 : vector<1x1x16xf32> to vector<16xf32>
        %parallel_loop3A_307 = arith.index_cast %select_n3A_196 : i32 to index
        %parallel_loop3A_308 = arith.index_cast %parallel_loop3A_279 : i32 to index
        %parallel_loop3A_309 = arith.constant 32 : index
        %parallel_loop3A_310 = tpu.vector_load %arg6[%parallel_loop3A_307, %parallel_loop3A_308, %parallel_loop3A_309] {strides = array<i32>} : memref<6x16x768xf32, #tpu.memory_space<vmem>>, vector<1x1x16xf32>,
        %parallel_loop3A_311 = vector.shape_cast %parallel_loop3A_310 : vector<1x1x16xf32> to vector<16xf32>
        %parallel_loop3A_312 = vector.shape_cast %parallel_loop3A_306 : vector<16xf32> to vector<1x1x16xf32>
        tpu.vector_store %arg6[%parallel_loop3A_307, %parallel_loop3A_308, %parallel_loop3A_309], %parallel_loop3A_312 {add = true, strides = array<i32>} : memref<6x16x768xf32, #tpu.memory_space<vmem>>, vector<1x1x16xf32>,
        %parallel_loop3A_313 = arith.index_cast %select_n3A_212 : i32 to index
        %parallel_loop3A_314 = arith.index_cast %parallel_loop3A_279 : i32 to index
        %parallel_loop3A_315 = arith.constant 48 : index
        %parallel_loop3A_316 = tpu.vector_load %arg5[%parallel_loop3A_313, %parallel_loop3A_314, %parallel_loop3A_315] {strides = array<i32>} : memref<2x16x768xf32, #tpu.memory_space<vmem>>, vector<1x1x16xf32>,
        %parallel_loop3A_317 = vector.shape_cast %parallel_loop3A_316 : vector<1x1x16xf32> to vector<16xf32>
        %parallel_loop3A_318 = arith.index_cast %select_n3A_196 : i32 to index
        %parallel_loop3A_319 = arith.index_cast %parallel_loop3A_279 : i32 to index
        %parallel_loop3A_320 = arith.constant 48 : index
        %parallel_loop3A_321 = tpu.vector_load %arg6[%parallel_loop3A_318, %parallel_loop3A_319, %parallel_loop3A_320] {strides = array<i32>} : memref<6x16x768xf32, #tpu.memory_space<vmem>>, vector<1x1x16xf32>,
        %parallel_loop3A_322 = vector.shape_cast %parallel_loop3A_321 : vector<1x1x16xf32> to vector<16xf32>
        %parallel_loop3A_323 = vector.shape_cast %parallel_loop3A_317 : vector<16xf32> to vector<1x1x16xf32>
        tpu.vector_store %arg6[%parallel_loop3A_318, %parallel_loop3A_319, %parallel_loop3A_320], %parallel_loop3A_323 {add = true, strides = array<i32>} : memref<6x16x768xf32, #tpu.memory_space<vmem>>, vector<1x1x16xf32>,
        %parallel_loop3A_324 = arith.index_cast %select_n3A_212 : i32 to index
        %parallel_loop3A_325 = arith.index_cast %parallel_loop3A_279 : i32 to index
        %parallel_loop3A_326 = arith.constant 64 : index
        %parallel_loop3A_327 = tpu.vector_load %arg5[%parallel_loop3A_324, %parallel_loop3A_325, %parallel_loop3A_326] {strides = array<i32>} : memref<2x16x768xf32, #tpu.memory_space<vmem>>, vector<1x1x16xf32>,
        %parallel_loop3A_328 = vector.shape_cast %parallel_loop3A_327 : vector<1x1x16xf32> to vector<16xf32>
        %parallel_loop3A_329 = arith.index_cast %select_n3A_196 : i32 to index
        %parallel_loop3A_330 = arith.index_cast %parallel_loop3A_279 : i32 to index
        %parallel_loop3A_331 = arith.constant 64 : index
        %parallel_loop3A_332 = tpu.vector_load %arg6[%parallel_loop3A_329, %parallel_loop3A_330, %parallel_loop3A_331] {strides = array<i32>} : memref<6x16x768xf32, #tpu.memory_space<vmem>>, vector<1x1x16xf32>,
        %parallel_loop3A_333 = vector.shape_cast %parallel_loop3A_332 : vector<1x1x16xf32> to vector<16xf32>
        %parallel_loop3A_334 = vector.shape_cast %parallel_loop3A_328 : vector<16xf32> to vector<1x1x16xf32>
        tpu.vector_store %arg6[%parallel_loop3A_329, %parallel_loop3A_330, %parallel_loop3A_331], %parallel_loop3A_334 {add = true, strides = array<i32>} : memref<6x16x768xf32, #tpu.memory_space<vmem>>, vector<1x1x16xf32>,
        %parallel_loop3A_335 = arith.index_cast %select_n3A_212 : i32 to index
        %parallel_loop3A_336 = arith.index_cast %parallel_loop3A_279 : i32 to index
        %parallel_loop3A_337 = arith.constant 80 : index
        %parallel_loop3A_338 = tpu.vector_load %arg5[%parallel_loop3A_335, %parallel_loop3A_336, %parallel_loop3A_337] {strides = array<i32>} : memref<2x16x768xf32, #tpu.memory_space<vmem>>, vector<1x1x16xf32>,
        %parallel_loop3A_339 = vector.shape_cast %parallel_loop3A_338 : vector<1x1x16xf32> to vector<16xf32>
        %parallel_loop3A_340 = arith.index_cast %select_n3A_196 : i32 to index
        %parallel_loop3A_341 = arith.index_cast %parallel_loop3A_279 : i32 to index
        %parallel_loop3A_342 = arith.constant 80 : index
        %parallel_loop3A_343 = tpu.vector_load %arg6[%parallel_loop3A_340, %parallel_loop3A_341, %parallel_loop3A_342] {strides = array<i32>} : memref<6x16x768xf32, #tpu.memory_space<vmem>>, vector<1x1x16xf32>,
        %parallel_loop3A_344 = vector.shape_cast %parallel_loop3A_343 : vector<1x1x16xf32> to vector<16xf32>
        %parallel_loop3A_345 = vector.shape_cast %parallel_loop3A_339 : vector<16xf32> to vector<1x1x16xf32>
        tpu.vector_store %arg6[%parallel_loop3A_340, %parallel_loop3A_341, %parallel_loop3A_342], %parallel_loop3A_345 {add = true, strides = array<i32>} : memref<6x16x768xf32, #tpu.memory_space<vmem>>, vector<1x1x16xf32>,
        %parallel_loop3A_346 = arith.index_cast %select_n3A_212 : i32 to index
        %parallel_loop3A_347 = arith.index_cast %parallel_loop3A_279 : i32 to index
        %parallel_loop3A_348 = arith.constant 96 : index
        %parallel_loop3A_349 = tpu.vector_load %arg5[%parallel_loop3A_346, %parallel_loop3A_347, %parallel_loop3A_348] {strides = array<i32>} : memref<2x16x768xf32, #tpu.memory_space<vmem>>, vector<1x1x16xf32>,
        %parallel_loop3A_350 = vector.shape_cast %parallel_loop3A_349 : vector<1x1x16xf32> to vector<16xf32>
        %parallel_loop3A_351 = arith.index_cast %select_n3A_196 : i32 to index
        %parallel_loop3A_352 = arith.index_cast %parallel_loop3A_279 : i32 to index
        %parallel_loop3A_353 = arith.constant 96 : index
        %parallel_loop3A_354 = tpu.vector_load %arg6[%parallel_loop3A_351, %parallel_loop3A_352, %parallel_loop3A_353] {strides = array<i32>} : memref<6x16x768xf32, #tpu.memory_space<vmem>>, vector<1x1x16xf32>,
        %parallel_loop3A_355 = vector.shape_cast %parallel_loop3A_354 : vector<1x1x16xf32> to vector<16xf32>
        %parallel_loop3A_356 = vector.shape_cast %parallel_loop3A_350 : vector<16xf32> to vector<1x1x16xf32>
        tpu.vector_store %arg6[%parallel_loop3A_351, %parallel_loop3A_352, %parallel_loop3A_353], %parallel_loop3A_356 {add = true, strides = array<i32>} : memref<6x16x768xf32, #tpu.memory_space<vmem>>, vector<1x1x16xf32>,
        %parallel_loop3A_357 = arith.index_cast %select_n3A_212 : i32 to index
        %parallel_loop3A_358 = arith.index_cast %parallel_loop3A_279 : i32 to index
        %parallel_loop3A_359 = arith.constant 112 : index
        %parallel_loop3A_360 = tpu.vector_load %arg5[%parallel_loop3A_357, %parallel_loop3A_358, %parallel_loop3A_359] {strides = array<i32>} : memref<2x16x768xf32, #tpu.memory_space<vmem>>, vector<1x1x16xf32>,
        %parallel_loop3A_361 = vector.shape_cast %parallel_loop3A_360 : vector<1x1x16xf32> to vector<16xf32>
        %parallel_loop3A_362 = arith.index_cast %select_n3A_196 : i32 to index
        %parallel_loop3A_363 = arith.index_cast %parallel_loop3A_279 : i32 to index
        %parallel_loop3A_364 = arith.constant 112 : index
        %parallel_loop3A_365 = tpu.vector_load %arg6[%parallel_loop3A_362, %parallel_loop3A_363, %parallel_loop3A_364] {strides = array<i32>} : memref<6x16x768xf32, #tpu.memory_space<vmem>>, vector<1x1x16xf32>,
        %parallel_loop3A_366 = vector.shape_cast %parallel_loop3A_365 : vector<1x1x16xf32> to vector<16xf32>
        %parallel_loop3A_367 = vector.shape_cast %parallel_loop3A_361 : vector<16xf32> to vector<1x1x16xf32>
        tpu.vector_store %arg6[%parallel_loop3A_362, %parallel_loop3A_363, %parallel_loop3A_364], %parallel_loop3A_367 {add = true, strides = array<i32>} : memref<6x16x768xf32, #tpu.memory_space<vmem>>, vector<1x1x16xf32>,
        %parallel_loop3A_368 = arith.index_cast %select_n3A_212 : i32 to index
        %parallel_loop3A_369 = arith.index_cast %parallel_loop3A_279 : i32 to index
        %parallel_loop3A_370 = arith.constant 128 : index
        %parallel_loop3A_371 = tpu.vector_load %arg5[%parallel_loop3A_368, %parallel_loop3A_369, %parallel_loop3A_370] {strides = array<i32>} : memref<2x16x768xf32, #tpu.memory_space<vmem>>, vector<1x1x16xf32>,
        %parallel_loop3A_372 = vector.shape_cast %parallel_loop3A_371 : vector<1x1x16xf32> to vector<16xf32>
        %parallel_loop3A_373 = arith.index_cast %select_n3A_196 : i32 to index
        %parallel_loop3A_374 = arith.index_cast %parallel_loop3A_279 : i32 to index
        %parallel_loop3A_375 = arith.constant 128 : index
        %parallel_loop3A_376 = tpu.vector_load %arg6[%parallel_loop3A_373, %parallel_loop3A_374, %parallel_loop3A_375] {strides = array<i32>} : memref<6x16x768xf32, #tpu.memory_space<vmem>>, vector<1x1x16xf32>,
        %parallel_loop3A_377 = vector.shape_cast %parallel_loop3A_376 : vector<1x1x16xf32> to vector<16xf32>
        %parallel_loop3A_378 = vector.shape_cast %parallel_loop3A_372 : vector<16xf32> to vector<1x1x16xf32>
        tpu.vector_store %arg6[%parallel_loop3A_373, %parallel_loop3A_374, %parallel_loop3A_375], %parallel_loop3A_378 {add = true, strides = array<i32>} : memref<6x16x768xf32, #tpu.memory_space<vmem>>, vector<1x1x16xf32>,
        %parallel_loop3A_379 = arith.index_cast %select_n3A_212 : i32 to index
        %parallel_loop3A_380 = arith.index_cast %parallel_loop3A_279 : i32 to index
        %parallel_loop3A_381 = arith.constant 144 : index
        %parallel_loop3A_382 = tpu.vector_load %arg5[%parallel_loop3A_379, %parallel_loop3A_380, %parallel_loop3A_381] {strides = array<i32>} : memref<2x16x768xf32, #tpu.memory_space<vmem>>, vector<1x1x16xf32>,
        %parallel_loop3A_383 = vector.shape_cast %parallel_loop3A_382 : vector<1x1x16xf32> to vector<16xf32>
        %parallel_loop3A_384 = arith.index_cast %select_n3A_196 : i32 to index
        %parallel_loop3A_385 = arith.index_cast %parallel_loop3A_279 : i32 to index
        %parallel_loop3A_386 = arith.constant 144 : index
        %parallel_loop3A_387 = tpu.vector_load %arg6[%parallel_loop3A_384, %parallel_loop3A_385, %parallel_loop3A_386] {strides = array<i32>} : memref<6x16x768xf32, #tpu.memory_space<vmem>>, vector<1x1x16xf32>,
        %parallel_loop3A_388 = vector.shape_cast %parallel_loop3A_387 : vector<1x1x16xf32> to vector<16xf32>
        %parallel_loop3A_389 = vector.shape_cast %parallel_loop3A_383 : vector<16xf32> to vector<1x1x16xf32>
        tpu.vector_store %arg6[%parallel_loop3A_384, %parallel_loop3A_385, %parallel_loop3A_386], %parallel_loop3A_389 {add = true, strides = array<i32>} : memref<6x16x768xf32, #tpu.memory_space<vmem>>, vector<1x1x16xf32>,
        %parallel_loop3A_390 = arith.index_cast %select_n3A_212 : i32 to index
        %parallel_loop3A_391 = arith.index_cast %parallel_loop3A_279 : i32 to index
        %parallel_loop3A_392 = arith.constant 160 : index
        %parallel_loop3A_393 = tpu.vector_load %arg5[%parallel_loop3A_390, %parallel_loop3A_391, %parallel_loop3A_392] {strides = array<i32>} : memref<2x16x768xf32, #tpu.memory_space<vmem>>, vector<1x1x16xf32>,
        %parallel_loop3A_394 = vector.shape_cast %parallel_loop3A_393 : vector<1x1x16xf32> to vector<16xf32>
        %parallel_loop3A_395 = arith.index_cast %select_n3A_196 : i32 to index
        %parallel_loop3A_396 = arith.index_cast %parallel_loop3A_279 : i32 to index
        %parallel_loop3A_397 = arith.constant 160 : index
        %parallel_loop3A_398 = tpu.vector_load %arg6[%parallel_loop3A_395, %parallel_loop3A_396, %parallel_loop3A_397] {strides = array<i32>} : memref<6x16x768xf32, #tpu.memory_space<vmem>>, vector<1x1x16xf32>,
        %parallel_loop3A_399 = vector.shape_cast %parallel_loop3A_398 : vector<1x1x16xf32> to vector<16xf32>
        %parallel_loop3A_400 = vector.shape_cast %parallel_loop3A_394 : vector<16xf32> to vector<1x1x16xf32>
        tpu.vector_store %arg6[%parallel_loop3A_395, %parallel_loop3A_396, %parallel_loop3A_397], %parallel_loop3A_400 {add = true, strides = array<i32>} : memref<6x16x768xf32, #tpu.memory_space<vmem>>, vector<1x1x16xf32>,
        %parallel_loop3A_401 = arith.index_cast %select_n3A_212 : i32 to index
        %parallel_loop3A_402 = arith.index_cast %parallel_loop3A_279 : i32 to index
        %parallel_loop3A_403 = arith.constant 176 : index
        %parallel_loop3A_404 = tpu.vector_load %arg5[%parallel_loop3A_401, %parallel_loop3A_402, %parallel_loop3A_403] {strides = array<i32>} : memref<2x16x768xf32, #tpu.memory_space<vmem>>, vector<1x1x16xf32>,
        %parallel_loop3A_405 = vector.shape_cast %parallel_loop3A_404 : vector<1x1x16xf32> to vector<16xf32>
        %parallel_loop3A_406 = arith.index_cast %select_n3A_196 : i32 to index
        %parallel_loop3A_407 = arith.index_cast %parallel_loop3A_279 : i32 to index
        %parallel_loop3A_408 = arith.constant 176 : index
        %parallel_loop3A_409 = tpu.vector_load %arg6[%parallel_loop3A_406, %parallel_loop3A_407, %parallel_loop3A_408] {strides = array<i32>} : memref<6x16x768xf32, #tpu.memory_space<vmem>>, vector<1x1x16xf32>,
        %parallel_loop3A_410 = vector.shape_cast %parallel_loop3A_409 : vector<1x1x16xf32> to vector<16xf32>
        %parallel_loop3A_411 = vector.shape_cast %parallel_loop3A_405 : vector<16xf32> to vector<1x1x16xf32>
        tpu.vector_store %arg6[%parallel_loop3A_406, %parallel_loop3A_407, %parallel_loop3A_408], %parallel_loop3A_411 {add = true, strides = array<i32>} : memref<6x16x768xf32, #tpu.memory_space<vmem>>, vector<1x1x16xf32>,
        %parallel_loop3A_412 = arith.index_cast %select_n3A_212 : i32 to index
        %parallel_loop3A_413 = arith.index_cast %parallel_loop3A_279 : i32 to index
        %parallel_loop3A_414 = arith.constant 192 : index
        %parallel_loop3A_415 = tpu.vector_load %arg5[%parallel_loop3A_412, %parallel_loop3A_413, %parallel_loop3A_414] {strides = array<i32>} : memref<2x16x768xf32, #tpu.memory_space<vmem>>, vector<1x1x16xf32>,
        %parallel_loop3A_416 = vector.shape_cast %parallel_loop3A_415 : vector<1x1x16xf32> to vector<16xf32>
        %parallel_loop3A_417 = arith.index_cast %select_n3A_196 : i32 to index
        %parallel_loop3A_418 = arith.index_cast %parallel_loop3A_279 : i32 to index
        %parallel_loop3A_419 = arith.constant 192 : index
        %parallel_loop3A_420 = tpu.vector_load %arg6[%parallel_loop3A_417, %parallel_loop3A_418, %parallel_loop3A_419] {strides = array<i32>} : memref<6x16x768xf32, #tpu.memory_space<vmem>>, vector<1x1x16xf32>,
        %parallel_loop3A_421 = vector.shape_cast %parallel_loop3A_420 : vector<1x1x16xf32> to vector<16xf32>
        %parallel_loop3A_422 = vector.shape_cast %parallel_loop3A_416 : vector<16xf32> to vector<1x1x16xf32>
        tpu.vector_store %arg6[%parallel_loop3A_417, %parallel_loop3A_418, %parallel_loop3A_419], %parallel_loop3A_422 {add = true, strides = array<i32>} : memref<6x16x768xf32, #tpu.memory_space<vmem>>, vector<1x1x16xf32>,
        %parallel_loop3A_423 = arith.index_cast %select_n3A_212 : i32 to index
        %parallel_loop3A_424 = arith.index_cast %parallel_loop3A_279 : i32 to index
        %parallel_loop3A_425 = arith.constant 208 : index
        %parallel_loop3A_426 = tpu.vector_load %arg5[%parallel_loop3A_423, %parallel_loop3A_424, %parallel_loop3A_425] {strides = array<i32>} : memref<2x16x768xf32, #tpu.memory_space<vmem>>, vector<1x1x16xf32>,
        %parallel_loop3A_427 = vector.shape_cast %parallel_loop3A_426 : vector<1x1x16xf32> to vector<16xf32>
        %parallel_loop3A_428 = arith.index_cast %select_n3A_196 : i32 to index
        %parallel_loop3A_429 = arith.index_cast %parallel_loop3A_279 : i32 to index
        %parallel_loop3A_430 = arith.constant 208 : index
        %parallel_loop3A_431 = tpu.vector_load %arg6[%parallel_loop3A_428, %parallel_loop3A_429, %parallel_loop3A_430] {strides = array<i32>} : memref<6x16x768xf32, #tpu.memory_space<vmem>>, vector<1x1x16xf32>,
        %parallel_loop3A_432 = vector.shape_cast %parallel_loop3A_431 : vector<1x1x16xf32> to vector<16xf32>
        %parallel_loop3A_433 = vector.shape_cast %parallel_loop3A_427 : vector<16xf32> to vector<1x1x16xf32>
        tpu.vector_store %arg6[%parallel_loop3A_428, %parallel_loop3A_429, %parallel_loop3A_430], %parallel_loop3A_433 {add = true, strides = array<i32>} : memref<6x16x768xf32, #tpu.memory_space<vmem>>, vector<1x1x16xf32>,
        %parallel_loop3A_434 = arith.index_cast %select_n3A_212 : i32 to index
        %parallel_loop3A_435 = arith.index_cast %parallel_loop3A_279 : i32 to index
        %parallel_loop3A_436 = arith.constant 224 : index
        %parallel_loop3A_437 = tpu.vector_load %arg5[%parallel_loop3A_434, %parallel_loop3A_435, %parallel_loop3A_436] {strides = array<i32>} : memref<2x16x768xf32, #tpu.memory_space<vmem>>, vector<1x1x16xf32>,
        %parallel_loop3A_438 = vector.shape_cast %parallel_loop3A_437 : vector<1x1x16xf32> to vector<16xf32>
        %parallel_loop3A_439 = arith.index_cast %select_n3A_196 : i32 to index
        %parallel_loop3A_440 = arith.index_cast %parallel_loop3A_279 : i32 to index
        %parallel_loop3A_441 = arith.constant 224 : index
        %parallel_loop3A_442 = tpu.vector_load %arg6[%parallel_loop3A_439, %parallel_loop3A_440, %parallel_loop3A_441] {strides = array<i32>} : memref<6x16x768xf32, #tpu.memory_space<vmem>>, vector<1x1x16xf32>,
        %parallel_loop3A_443 = vector.shape_cast %parallel_loop3A_442 : vector<1x1x16xf32> to vector<16xf32>
        %parallel_loop3A_444 = vector.shape_cast %parallel_loop3A_438 : vector<16xf32> to vector<1x1x16xf32>
        tpu.vector_store %arg6[%parallel_loop3A_439, %parallel_loop3A_440, %parallel_loop3A_441], %parallel_loop3A_444 {add = true, strides = array<i32>} : memref<6x16x768xf32, #tpu.memory_space<vmem>>, vector<1x1x16xf32>,
        %parallel_loop3A_445 = arith.index_cast %select_n3A_212 : i32 to index
        %parallel_loop3A_446 = arith.index_cast %parallel_loop3A_279 : i32 to index
        %parallel_loop3A_447 = arith.constant 240 : index
        %parallel_loop3A_448 = tpu.vector_load %arg5[%parallel_loop3A_445, %parallel_loop3A_446, %parallel_loop3A_447] {strides = array<i32>} : memref<2x16x768xf32, #tpu.memory_space<vmem>>, vector<1x1x16xf32>,
        %parallel_loop3A_449 = vector.shape_cast %parallel_loop3A_448 : vector<1x1x16xf32> to vector<16xf32>
        %parallel_loop3A_450 = arith.index_cast %select_n3A_196 : i32 to index
        %parallel_loop3A_451 = arith.index_cast %parallel_loop3A_279 : i32 to index
        %parallel_loop3A_452 = arith.constant 240 : index
        %parallel_loop3A_453 = tpu.vector_load %arg6[%parallel_loop3A_450, %parallel_loop3A_451, %parallel_loop3A_452] {strides = array<i32>} : memref<6x16x768xf32, #tpu.memory_space<vmem>>, vector<1x1x16xf32>,
        %parallel_loop3A_454 = vector.shape_cast %parallel_loop3A_453 : vector<1x1x16xf32> to vector<16xf32>
        %parallel_loop3A_455 = vector.shape_cast %parallel_loop3A_449 : vector<16xf32> to vector<1x1x16xf32>
        tpu.vector_store %arg6[%parallel_loop3A_450, %parallel_loop3A_451, %parallel_loop3A_452], %parallel_loop3A_455 {add = true, strides = array<i32>} : memref<6x16x768xf32, #tpu.memory_space<vmem>>, vector<1x1x16xf32>,
        %parallel_loop3A_456 = arith.index_cast %select_n3A_212 : i32 to index
        %parallel_loop3A_457 = arith.index_cast %parallel_loop3A_279 : i32 to index
        %parallel_loop3A_458 = arith.constant 256 : index
        %parallel_loop3A_459 = tpu.vector_load %arg5[%parallel_loop3A_456, %parallel_loop3A_457, %parallel_loop3A_458] {strides = array<i32>} : memref<2x16x768xf32, #tpu.memory_space<vmem>>, vector<1x1x16xf32>,
        %parallel_loop3A_460 = vector.shape_cast %parallel_loop3A_459 : vector<1x1x16xf32> to vector<16xf32>
        %parallel_loop3A_461 = arith.index_cast %select_n3A_196 : i32 to index
        %parallel_loop3A_462 = arith.index_cast %parallel_loop3A_279 : i32 to index
        %parallel_loop3A_463 = arith.constant 256 : index
        %parallel_loop3A_464 = tpu.vector_load %arg6[%parallel_loop3A_461, %parallel_loop3A_462, %parallel_loop3A_463] {strides = array<i32>} : memref<6x16x768xf32, #tpu.memory_space<vmem>>, vector<1x1x16xf32>,
        %parallel_loop3A_465 = vector.shape_cast %parallel_loop3A_464 : vector<1x1x16xf32> to vector<16xf32>
        %parallel_loop3A_466 = vector.shape_cast %parallel_loop3A_460 : vector<16xf32> to vector<1x1x16xf32>
        tpu.vector_store %arg6[%parallel_loop3A_461, %parallel_loop3A_462, %parallel_loop3A_463], %parallel_loop3A_466 {add = true, strides = array<i32>} : memref<6x16x768xf32, #tpu.memory_space<vmem>>, vector<1x1x16xf32>,
        %parallel_loop3A_467 = arith.index_cast %select_n3A_212 : i32 to index
        %parallel_loop3A_468 = arith.index_cast %parallel_loop3A_279 : i32 to index
        %parallel_loop3A_469 = arith.constant 272 : index
        %parallel_loop3A_470 = tpu.vector_load %arg5[%parallel_loop3A_467, %parallel_loop3A_468, %parallel_loop3A_469] {strides = array<i32>} : memref<2x16x768xf32, #tpu.memory_space<vmem>>, vector<1x1x16xf32>,
        %parallel_loop3A_471 = vector.shape_cast %parallel_loop3A_470 : vector<1x1x16xf32> to vector<16xf32>
        %parallel_loop3A_472 = arith.index_cast %select_n3A_196 : i32 to index
        %parallel_loop3A_473 = arith.index_cast %parallel_loop3A_279 : i32 to index
        %parallel_loop3A_474 = arith.constant 272 : index
        %parallel_loop3A_475 = tpu.vector_load %arg6[%parallel_loop3A_472, %parallel_loop3A_473, %parallel_loop3A_474] {strides = array<i32>} : memref<6x16x768xf32, #tpu.memory_space<vmem>>, vector<1x1x16xf32>,
        %parallel_loop3A_476 = vector.shape_cast %parallel_loop3A_475 : vector<1x1x16xf32> to vector<16xf32>
        %parallel_loop3A_477 = vector.shape_cast %parallel_loop3A_471 : vector<16xf32> to vector<1x1x16xf32>
        tpu.vector_store %arg6[%parallel_loop3A_472, %parallel_loop3A_473, %parallel_loop3A_474], %parallel_loop3A_477 {add = true, strides = array<i32>} : memref<6x16x768xf32, #tpu.memory_space<vmem>>, vector<1x1x16xf32>,
        %parallel_loop3A_478 = arith.index_cast %select_n3A_212 : i32 to index
        %parallel_loop3A_479 = arith.index_cast %parallel_loop3A_279 : i32 to index
        %parallel_loop3A_480 = arith.constant 288 : index
        %parallel_loop3A_481 = tpu.vector_load %arg5[%parallel_loop3A_478, %parallel_loop3A_479, %parallel_loop3A_480] {strides = array<i32>} : memref<2x16x768xf32, #tpu.memory_space<vmem>>, vector<1x1x16xf32>,
        %parallel_loop3A_482 = vector.shape_cast %parallel_loop3A_481 : vector<1x1x16xf32> to vector<16xf32>
        %parallel_loop3A_483 = arith.index_cast %select_n3A_196 : i32 to index
        %parallel_loop3A_484 = arith.index_cast %parallel_loop3A_279 : i32 to index
        %parallel_loop3A_485 = arith.constant 288 : index
        %parallel_loop3A_486 = tpu.vector_load %arg6[%parallel_loop3A_483, %parallel_loop3A_484, %parallel_loop3A_485] {strides = array<i32>} : memref<6x16x768xf32, #tpu.memory_space<vmem>>, vector<1x1x16xf32>,
        %parallel_loop3A_487 = vector.shape_cast %parallel_loop3A_486 : vector<1x1x16xf32> to vector<16xf32>
        %parallel_loop3A_488 = vector.shape_cast %parallel_loop3A_482 : vector<16xf32> to vector<1x1x16xf32>
        tpu.vector_store %arg6[%parallel_loop3A_483, %parallel_loop3A_484, %parallel_loop3A_485], %parallel_loop3A_488 {add = true, strides = array<i32>} : memref<6x16x768xf32, #tpu.memory_space<vmem>>, vector<1x1x16xf32>,
        %parallel_loop3A_489 = arith.index_cast %select_n3A_212 : i32 to index
        %parallel_loop3A_490 = arith.index_cast %parallel_loop3A_279 : i32 to index
        %parallel_loop3A_491 = arith.constant 304 : index
        %parallel_loop3A_492 = tpu.vector_load %arg5[%parallel_loop3A_489, %parallel_loop3A_490, %parallel_loop3A_491] {strides = array<i32>} : memref<2x16x768xf32, #tpu.memory_space<vmem>>, vector<1x1x16xf32>,
        %parallel_loop3A_493 = vector.shape_cast %parallel_loop3A_492 : vector<1x1x16xf32> to vector<16xf32>
        %parallel_loop3A_494 = arith.index_cast %select_n3A_196 : i32 to index
        %parallel_loop3A_495 = arith.index_cast %parallel_loop3A_279 : i32 to index
        %parallel_loop3A_496 = arith.constant 304 : index
        %parallel_loop3A_497 = tpu.vector_load %arg6[%parallel_loop3A_494, %parallel_loop3A_495, %parallel_loop3A_496] {strides = array<i32>} : memref<6x16x768xf32, #tpu.memory_space<vmem>>, vector<1x1x16xf32>,
        %parallel_loop3A_498 = vector.shape_cast %parallel_loop3A_497 : vector<1x1x16xf32> to vector<16xf32>
        %parallel_loop3A_499 = vector.shape_cast %parallel_loop3A_493 : vector<16xf32> to vector<1x1x16xf32>
        tpu.vector_store %arg6[%parallel_loop3A_494, %parallel_loop3A_495, %parallel_loop3A_496], %parallel_loop3A_499 {add = true, strides = array<i32>} : memref<6x16x768xf32, #tpu.memory_space<vmem>>, vector<1x1x16xf32>,
        %parallel_loop3A_500 = arith.index_cast %select_n3A_212 : i32 to index
        %parallel_loop3A_501 = arith.index_cast %parallel_loop3A_279 : i32 to index
        %parallel_loop3A_502 = arith.constant 320 : index
        %parallel_loop3A_503 = tpu.vector_load %arg5[%parallel_loop3A_500, %parallel_loop3A_501, %parallel_loop3A_502] {strides = array<i32>} : memref<2x16x768xf32, #tpu.memory_space<vmem>>, vector<1x1x16xf32>,
        %parallel_loop3A_504 = vector.shape_cast %parallel_loop3A_503 : vector<1x1x16xf32> to vector<16xf32>
        %parallel_loop3A_505 = arith.index_cast %select_n3A_196 : i32 to index
        %parallel_loop3A_506 = arith.index_cast %parallel_loop3A_279 : i32 to index
        %parallel_loop3A_507 = arith.constant 320 : index
        %parallel_loop3A_508 = tpu.vector_load %arg6[%parallel_loop3A_505, %parallel_loop3A_506, %parallel_loop3A_507] {strides = array<i32>} : memref<6x16x768xf32, #tpu.memory_space<vmem>>, vector<1x1x16xf32>,
        %parallel_loop3A_509 = vector.shape_cast %parallel_loop3A_508 : vector<1x1x16xf32> to vector<16xf32>
        %parallel_loop3A_510 = vector.shape_cast %parallel_loop3A_504 : vector<16xf32> to vector<1x1x16xf32>
        tpu.vector_store %arg6[%parallel_loop3A_505, %parallel_loop3A_506, %parallel_loop3A_507], %parallel_loop3A_510 {add = true, strides = array<i32>} : memref<6x16x768xf32, #tpu.memory_space<vmem>>, vector<1x1x16xf32>,
        %parallel_loop3A_511 = arith.index_cast %select_n3A_212 : i32 to index
        %parallel_loop3A_512 = arith.index_cast %parallel_loop3A_279 : i32 to index
        %parallel_loop3A_513 = arith.constant 336 : index
        %parallel_loop3A_514 = tpu.vector_load %arg5[%parallel_loop3A_511, %parallel_loop3A_512, %parallel_loop3A_513] {strides = array<i32>} : memref<2x16x768xf32, #tpu.memory_space<vmem>>, vector<1x1x16xf32>,
        %parallel_loop3A_515 = vector.shape_cast %parallel_loop3A_514 : vector<1x1x16xf32> to vector<16xf32>
        %parallel_loop3A_516 = arith.index_cast %select_n3A_196 : i32 to index
        %parallel_loop3A_517 = arith.index_cast %parallel_loop3A_279 : i32 to index
        %parallel_loop3A_518 = arith.constant 336 : index
        %parallel_loop3A_519 = tpu.vector_load %arg6[%parallel_loop3A_516, %parallel_loop3A_517, %parallel_loop3A_518] {strides = array<i32>} : memref<6x16x768xf32, #tpu.memory_space<vmem>>, vector<1x1x16xf32>,
        %parallel_loop3A_520 = vector.shape_cast %parallel_loop3A_519 : vector<1x1x16xf32> to vector<16xf32>
        %parallel_loop3A_521 = vector.shape_cast %parallel_loop3A_515 : vector<16xf32> to vector<1x1x16xf32>
        tpu.vector_store %arg6[%parallel_loop3A_516, %parallel_loop3A_517, %parallel_loop3A_518], %parallel_loop3A_521 {add = true, strides = array<i32>} : memref<6x16x768xf32, #tpu.memory_space<vmem>>, vector<1x1x16xf32>,
        %parallel_loop3A_522 = arith.index_cast %select_n3A_212 : i32 to index
        %parallel_loop3A_523 = arith.index_cast %parallel_loop3A_279 : i32 to index
        %parallel_loop3A_524 = arith.constant 352 : index
        %parallel_loop3A_525 = tpu.vector_load %arg5[%parallel_loop3A_522, %parallel_loop3A_523, %parallel_loop3A_524] {strides = array<i32>} : memref<2x16x768xf32, #tpu.memory_space<vmem>>, vector<1x1x16xf32>,
        %parallel_loop3A_526 = vector.shape_cast %parallel_loop3A_525 : vector<1x1x16xf32> to vector<16xf32>
        %parallel_loop3A_527 = arith.index_cast %select_n3A_196 : i32 to index
        %parallel_loop3A_528 = arith.index_cast %parallel_loop3A_279 : i32 to index
        %parallel_loop3A_529 = arith.constant 352 : index
        %parallel_loop3A_530 = tpu.vector_load %arg6[%parallel_loop3A_527, %parallel_loop3A_528, %parallel_loop3A_529] {strides = array<i32>} : memref<6x16x768xf32, #tpu.memory_space<vmem>>, vector<1x1x16xf32>,
        %parallel_loop3A_531 = vector.shape_cast %parallel_loop3A_530 : vector<1x1x16xf32> to vector<16xf32>
        %parallel_loop3A_532 = vector.shape_cast %parallel_loop3A_526 : vector<16xf32> to vector<1x1x16xf32>
        tpu.vector_store %arg6[%parallel_loop3A_527, %parallel_loop3A_528, %parallel_loop3A_529], %parallel_loop3A_532 {add = true, strides = array<i32>} : memref<6x16x768xf32, #tpu.memory_space<vmem>>, vector<1x1x16xf32>,
        %parallel_loop3A_533 = arith.index_cast %select_n3A_212 : i32 to index
        %parallel_loop3A_534 = arith.index_cast %parallel_loop3A_279 : i32 to index
        %parallel_loop3A_535 = arith.constant 368 : index
        %parallel_loop3A_536 = tpu.vector_load %arg5[%parallel_loop3A_533, %parallel_loop3A_534, %parallel_loop3A_535] {strides = array<i32>} : memref<2x16x768xf32, #tpu.memory_space<vmem>>, vector<1x1x16xf32>,
        %parallel_loop3A_537 = vector.shape_cast %parallel_loop3A_536 : vector<1x1x16xf32> to vector<16xf32>
        %parallel_loop3A_538 = arith.index_cast %select_n3A_196 : i32 to index
        %parallel_loop3A_539 = arith.index_cast %parallel_loop3A_279 : i32 to index
        %parallel_loop3A_540 = arith.constant 368 : index
        %parallel_loop3A_541 = tpu.vector_load %arg6[%parallel_loop3A_538, %parallel_loop3A_539, %parallel_loop3A_540] {strides = array<i32>} : memref<6x16x768xf32, #tpu.memory_space<vmem>>, vector<1x1x16xf32>,
        %parallel_loop3A_542 = vector.shape_cast %parallel_loop3A_541 : vector<1x1x16xf32> to vector<16xf32>
        %parallel_loop3A_543 = vector.shape_cast %parallel_loop3A_537 : vector<16xf32> to vector<1x1x16xf32>
        tpu.vector_store %arg6[%parallel_loop3A_538, %parallel_loop3A_539, %parallel_loop3A_540], %parallel_loop3A_543 {add = true, strides = array<i32>} : memref<6x16x768xf32, #tpu.memory_space<vmem>>, vector<1x1x16xf32>,
        %parallel_loop3A_544 = arith.index_cast %select_n3A_212 : i32 to index
        %parallel_loop3A_545 = arith.index_cast %parallel_loop3A_279 : i32 to index
        %parallel_loop3A_546 = arith.constant 384 : index
        %parallel_loop3A_547 = tpu.vector_load %arg5[%parallel_loop3A_544, %parallel_loop3A_545, %parallel_loop3A_546] {strides = array<i32>} : memref<2x16x768xf32, #tpu.memory_space<vmem>>, vector<1x1x16xf32>,
        %parallel_loop3A_548 = vector.shape_cast %parallel_loop3A_547 : vector<1x1x16xf32> to vector<16xf32>
        %parallel_loop3A_549 = arith.index_cast %select_n3A_196 : i32 to index
        %parallel_loop3A_550 = arith.index_cast %parallel_loop3A_279 : i32 to index
        %parallel_loop3A_551 = arith.constant 384 : index
        %parallel_loop3A_552 = tpu.vector_load %arg6[%parallel_loop3A_549, %parallel_loop3A_550, %parallel_loop3A_551] {strides = array<i32>} : memref<6x16x768xf32, #tpu.memory_space<vmem>>, vector<1x1x16xf32>,
        %parallel_loop3A_553 = vector.shape_cast %parallel_loop3A_552 : vector<1x1x16xf32> to vector<16xf32>
        %parallel_loop3A_554 = vector.shape_cast %parallel_loop3A_548 : vector<16xf32> to vector<1x1x16xf32>
        tpu.vector_store %arg6[%parallel_loop3A_549, %parallel_loop3A_550, %parallel_loop3A_551], %parallel_loop3A_554 {add = true, strides = array<i32>} : memref<6x16x768xf32, #tpu.memory_space<vmem>>, vector<1x1x16xf32>,
        %parallel_loop3A_555 = arith.index_cast %select_n3A_212 : i32 to index
        %parallel_loop3A_556 = arith.index_cast %parallel_loop3A_279 : i32 to index
        %parallel_loop3A_557 = arith.constant 400 : index
        %parallel_loop3A_558 = tpu.vector_load %arg5[%parallel_loop3A_555, %parallel_loop3A_556, %parallel_loop3A_557] {strides = array<i32>} : memref<2x16x768xf32, #tpu.memory_space<vmem>>, vector<1x1x16xf32>,
        %parallel_loop3A_559 = vector.shape_cast %parallel_loop3A_558 : vector<1x1x16xf32> to vector<16xf32>
        %parallel_loop3A_560 = arith.index_cast %select_n3A_196 : i32 to index
        %parallel_loop3A_561 = arith.index_cast %parallel_loop3A_279 : i32 to index
        %parallel_loop3A_562 = arith.constant 400 : index
        %parallel_loop3A_563 = tpu.vector_load %arg6[%parallel_loop3A_560, %parallel_loop3A_561, %parallel_loop3A_562] {strides = array<i32>} : memref<6x16x768xf32, #tpu.memory_space<vmem>>, vector<1x1x16xf32>,
        %parallel_loop3A_564 = vector.shape_cast %parallel_loop3A_563 : vector<1x1x16xf32> to vector<16xf32>
        %parallel_loop3A_565 = vector.shape_cast %parallel_loop3A_559 : vector<16xf32> to vector<1x1x16xf32>
        tpu.vector_store %arg6[%parallel_loop3A_560, %parallel_loop3A_561, %parallel_loop3A_562], %parallel_loop3A_565 {add = true, strides = array<i32>} : memref<6x16x768xf32, #tpu.memory_space<vmem>>, vector<1x1x16xf32>,
        %parallel_loop3A_566 = arith.index_cast %select_n3A_212 : i32 to index
        %parallel_loop3A_567 = arith.index_cast %parallel_loop3A_279 : i32 to index
        %parallel_loop3A_568 = arith.constant 416 : index
        %parallel_loop3A_569 = tpu.vector_load %arg5[%parallel_loop3A_566, %parallel_loop3A_567, %parallel_loop3A_568] {strides = array<i32>} : memref<2x16x768xf32, #tpu.memory_space<vmem>>, vector<1x1x16xf32>,
        %parallel_loop3A_570 = vector.shape_cast %parallel_loop3A_569 : vector<1x1x16xf32> to vector<16xf32>
        %parallel_loop3A_571 = arith.index_cast %select_n3A_196 : i32 to index
        %parallel_loop3A_572 = arith.index_cast %parallel_loop3A_279 : i32 to index
        %parallel_loop3A_573 = arith.constant 416 : index
        %parallel_loop3A_574 = tpu.vector_load %arg6[%parallel_loop3A_571, %parallel_loop3A_572, %parallel_loop3A_573] {strides = array<i32>} : memref<6x16x768xf32, #tpu.memory_space<vmem>>, vector<1x1x16xf32>,
        %parallel_loop3A_575 = vector.shape_cast %parallel_loop3A_574 : vector<1x1x16xf32> to vector<16xf32>
        %parallel_loop3A_576 = vector.shape_cast %parallel_loop3A_570 : vector<16xf32> to vector<1x1x16xf32>
        tpu.vector_store %arg6[%parallel_loop3A_571, %parallel_loop3A_572, %parallel_loop3A_573], %parallel_loop3A_576 {add = true, strides = array<i32>} : memref<6x16x768xf32, #tpu.memory_space<vmem>>, vector<1x1x16xf32>,
        %parallel_loop3A_577 = arith.index_cast %select_n3A_212 : i32 to index
        %parallel_loop3A_578 = arith.index_cast %parallel_loop3A_279 : i32 to index
        %parallel_loop3A_579 = arith.constant 432 : index
        %parallel_loop3A_580 = tpu.vector_load %arg5[%parallel_loop3A_577, %parallel_loop3A_578, %parallel_loop3A_579] {strides = array<i32>} : memref<2x16x768xf32, #tpu.memory_space<vmem>>, vector<1x1x16xf32>,
        %parallel_loop3A_581 = vector.shape_cast %parallel_loop3A_580 : vector<1x1x16xf32> to vector<16xf32>
        %parallel_loop3A_582 = arith.index_cast %select_n3A_196 : i32 to index
        %parallel_loop3A_583 = arith.index_cast %parallel_loop3A_279 : i32 to index
        %parallel_loop3A_584 = arith.constant 432 : index
        %parallel_loop3A_585 = tpu.vector_load %arg6[%parallel_loop3A_582, %parallel_loop3A_583, %parallel_loop3A_584] {strides = array<i32>} : memref<6x16x768xf32, #tpu.memory_space<vmem>>, vector<1x1x16xf32>,
        %parallel_loop3A_586 = vector.shape_cast %parallel_loop3A_585 : vector<1x1x16xf32> to vector<16xf32>
        %parallel_loop3A_587 = vector.shape_cast %parallel_loop3A_581 : vector<16xf32> to vector<1x1x16xf32>
        tpu.vector_store %arg6[%parallel_loop3A_582, %parallel_loop3A_583, %parallel_loop3A_584], %parallel_loop3A_587 {add = true, strides = array<i32>} : memref<6x16x768xf32, #tpu.memory_space<vmem>>, vector<1x1x16xf32>,
        %parallel_loop3A_588 = arith.index_cast %select_n3A_212 : i32 to index
        %parallel_loop3A_589 = arith.index_cast %parallel_loop3A_279 : i32 to index
        %parallel_loop3A_590 = arith.constant 448 : index
        %parallel_loop3A_591 = tpu.vector_load %arg5[%parallel_loop3A_588, %parallel_loop3A_589, %parallel_loop3A_590] {strides = array<i32>} : memref<2x16x768xf32, #tpu.memory_space<vmem>>, vector<1x1x16xf32>,
        %parallel_loop3A_592 = vector.shape_cast %parallel_loop3A_591 : vector<1x1x16xf32> to vector<16xf32>
        %parallel_loop3A_593 = arith.index_cast %select_n3A_196 : i32 to index
        %parallel_loop3A_594 = arith.index_cast %parallel_loop3A_279 : i32 to index
        %parallel_loop3A_595 = arith.constant 448 : index
        %parallel_loop3A_596 = tpu.vector_load %arg6[%parallel_loop3A_593, %parallel_loop3A_594, %parallel_loop3A_595] {strides = array<i32>} : memref<6x16x768xf32, #tpu.memory_space<vmem>>, vector<1x1x16xf32>,
        %parallel_loop3A_597 = vector.shape_cast %parallel_loop3A_596 : vector<1x1x16xf32> to vector<16xf32>
        %parallel_loop3A_598 = vector.shape_cast %parallel_loop3A_592 : vector<16xf32> to vector<1x1x16xf32>
        tpu.vector_store %arg6[%parallel_loop3A_593, %parallel_loop3A_594, %parallel_loop3A_595], %parallel_loop3A_598 {add = true, strides = array<i32>} : memref<6x16x768xf32, #tpu.memory_space<vmem>>, vector<1x1x16xf32>,
        %parallel_loop3A_599 = arith.index_cast %select_n3A_212 : i32 to index
        %parallel_loop3A_600 = arith.index_cast %parallel_loop3A_279 : i32 to index
        %parallel_loop3A_601 = arith.constant 464 : index
        %parallel_loop3A_602 = tpu.vector_load %arg5[%parallel_loop3A_599, %parallel_loop3A_600, %parallel_loop3A_601] {strides = array<i32>} : memref<2x16x768xf32, #tpu.memory_space<vmem>>, vector<1x1x16xf32>,
        %parallel_loop3A_603 = vector.shape_cast %parallel_loop3A_602 : vector<1x1x16xf32> to vector<16xf32>
        %parallel_loop3A_604 = arith.index_cast %select_n3A_196 : i32 to index
        %parallel_loop3A_605 = arith.index_cast %parallel_loop3A_279 : i32 to index
        %parallel_loop3A_606 = arith.constant 464 : index
        %parallel_loop3A_607 = tpu.vector_load %arg6[%parallel_loop3A_604, %parallel_loop3A_605, %parallel_loop3A_606] {strides = array<i32>} : memref<6x16x768xf32, #tpu.memory_space<vmem>>, vector<1x1x16xf32>,
        %parallel_loop3A_608 = vector.shape_cast %parallel_loop3A_607 : vector<1x1x16xf32> to vector<16xf32>
        %parallel_loop3A_609 = vector.shape_cast %parallel_loop3A_603 : vector<16xf32> to vector<1x1x16xf32>
        tpu.vector_store %arg6[%parallel_loop3A_604, %parallel_loop3A_605, %parallel_loop3A_606], %parallel_loop3A_609 {add = true, strides = array<i32>} : memref<6x16x768xf32, #tpu.memory_space<vmem>>, vector<1x1x16xf32>,
        %parallel_loop3A_610 = arith.index_cast %select_n3A_212 : i32 to index
        %parallel_loop3A_611 = arith.index_cast %parallel_loop3A_279 : i32 to index
        %parallel_loop3A_612 = arith.constant 480 : index
        %parallel_loop3A_613 = tpu.vector_load %arg5[%parallel_loop3A_610, %parallel_loop3A_611, %parallel_loop3A_612] {strides = array<i32>} : memref<2x16x768xf32, #tpu.memory_space<vmem>>, vector<1x1x16xf32>,
        %parallel_loop3A_614 = vector.shape_cast %parallel_loop3A_613 : vector<1x1x16xf32> to vector<16xf32>
        %parallel_loop3A_615 = arith.index_cast %select_n3A_196 : i32 to index
        %parallel_loop3A_616 = arith.index_cast %parallel_loop3A_279 : i32 to index
        %parallel_loop3A_617 = arith.constant 480 : index
        %parallel_loop3A_618 = tpu.vector_load %arg6[%parallel_loop3A_615, %parallel_loop3A_616, %parallel_loop3A_617] {strides = array<i32>} : memref<6x16x768xf32, #tpu.memory_space<vmem>>, vector<1x1x16xf32>,
        %parallel_loop3A_619 = vector.shape_cast %parallel_loop3A_618 : vector<1x1x16xf32> to vector<16xf32>
        %parallel_loop3A_620 = vector.shape_cast %parallel_loop3A_614 : vector<16xf32> to vector<1x1x16xf32>
        tpu.vector_store %arg6[%parallel_loop3A_615, %parallel_loop3A_616, %parallel_loop3A_617], %parallel_loop3A_620 {add = true, strides = array<i32>} : memref<6x16x768xf32, #tpu.memory_space<vmem>>, vector<1x1x16xf32>,
        %parallel_loop3A_621 = arith.index_cast %select_n3A_212 : i32 to index
        %parallel_loop3A_622 = arith.index_cast %parallel_loop3A_279 : i32 to index
        %parallel_loop3A_623 = arith.constant 496 : index
        %parallel_loop3A_624 = tpu.vector_load %arg5[%parallel_loop3A_621, %parallel_loop3A_622, %parallel_loop3A_623] {strides = array<i32>} : memref<2x16x768xf32, #tpu.memory_space<vmem>>, vector<1x1x16xf32>,
        %parallel_loop3A_625 = vector.shape_cast %parallel_loop3A_624 : vector<1x1x16xf32> to vector<16xf32>
        %parallel_loop3A_626 = arith.index_cast %select_n3A_196 : i32 to index
        %parallel_loop3A_627 = arith.index_cast %parallel_loop3A_279 : i32 to index
        %parallel_loop3A_628 = arith.constant 496 : index
        %parallel_loop3A_629 = tpu.vector_load %arg6[%parallel_loop3A_626, %parallel_loop3A_627, %parallel_loop3A_628] {strides = array<i32>} : memref<6x16x768xf32, #tpu.memory_space<vmem>>, vector<1x1x16xf32>,
        %parallel_loop3A_630 = vector.shape_cast %parallel_loop3A_629 : vector<1x1x16xf32> to vector<16xf32>
        %parallel_loop3A_631 = vector.shape_cast %parallel_loop3A_625 : vector<16xf32> to vector<1x1x16xf32>
        tpu.vector_store %arg6[%parallel_loop3A_626, %parallel_loop3A_627, %parallel_loop3A_628], %parallel_loop3A_631 {add = true, strides = array<i32>} : memref<6x16x768xf32, #tpu.memory_space<vmem>>, vector<1x1x16xf32>,
        %parallel_loop3A_632 = arith.index_cast %select_n3A_212 : i32 to index
        %parallel_loop3A_633 = arith.index_cast %parallel_loop3A_279 : i32 to index
        %parallel_loop3A_634 = arith.constant 512 : index
        %parallel_loop3A_635 = tpu.vector_load %arg5[%parallel_loop3A_632, %parallel_loop3A_633, %parallel_loop3A_634] {strides = array<i32>} : memref<2x16x768xf32, #tpu.memory_space<vmem>>, vector<1x1x16xf32>,
        %parallel_loop3A_636 = vector.shape_cast %parallel_loop3A_635 : vector<1x1x16xf32> to vector<16xf32>
        %parallel_loop3A_637 = arith.index_cast %select_n3A_196 : i32 to index
        %parallel_loop3A_638 = arith.index_cast %parallel_loop3A_279 : i32 to index
        %parallel_loop3A_639 = arith.constant 512 : index
        %parallel_loop3A_640 = tpu.vector_load %arg6[%parallel_loop3A_637, %parallel_loop3A_638, %parallel_loop3A_639] {strides = array<i32>} : memref<6x16x768xf32, #tpu.memory_space<vmem>>, vector<1x1x16xf32>,
        %parallel_loop3A_641 = vector.shape_cast %parallel_loop3A_640 : vector<1x1x16xf32> to vector<16xf32>
        %parallel_loop3A_642 = vector.shape_cast %parallel_loop3A_636 : vector<16xf32> to vector<1x1x16xf32>
        tpu.vector_store %arg6[%parallel_loop3A_637, %parallel_loop3A_638, %parallel_loop3A_639], %parallel_loop3A_642 {add = true, strides = array<i32>} : memref<6x16x768xf32, #tpu.memory_space<vmem>>, vector<1x1x16xf32>,
        %parallel_loop3A_643 = arith.index_cast %select_n3A_212 : i32 to index
        %parallel_loop3A_644 = arith.index_cast %parallel_loop3A_279 : i32 to index
        %parallel_loop3A_645 = arith.constant 528 : index
        %parallel_loop3A_646 = tpu.vector_load %arg5[%parallel_loop3A_643, %parallel_loop3A_644, %parallel_loop3A_645] {strides = array<i32>} : memref<2x16x768xf32, #tpu.memory_space<vmem>>, vector<1x1x16xf32>,
        %parallel_loop3A_647 = vector.shape_cast %parallel_loop3A_646 : vector<1x1x16xf32> to vector<16xf32>
        %parallel_loop3A_648 = arith.index_cast %select_n3A_196 : i32 to index
        %parallel_loop3A_649 = arith.index_cast %parallel_loop3A_279 : i32 to index
        %parallel_loop3A_650 = arith.constant 528 : index
        %parallel_loop3A_651 = tpu.vector_load %arg6[%parallel_loop3A_648, %parallel_loop3A_649, %parallel_loop3A_650] {strides = array<i32>} : memref<6x16x768xf32, #tpu.memory_space<vmem>>, vector<1x1x16xf32>,
        %parallel_loop3A_652 = vector.shape_cast %parallel_loop3A_651 : vector<1x1x16xf32> to vector<16xf32>
        %parallel_loop3A_653 = vector.shape_cast %parallel_loop3A_647 : vector<16xf32> to vector<1x1x16xf32>
        tpu.vector_store %arg6[%parallel_loop3A_648, %parallel_loop3A_649, %parallel_loop3A_650], %parallel_loop3A_653 {add = true, strides = array<i32>} : memref<6x16x768xf32, #tpu.memory_space<vmem>>, vector<1x1x16xf32>,
        %parallel_loop3A_654 = arith.index_cast %select_n3A_212 : i32 to index
        %parallel_loop3A_655 = arith.index_cast %parallel_loop3A_279 : i32 to index
        %parallel_loop3A_656 = arith.constant 544 : index
        %parallel_loop3A_657 = tpu.vector_load %arg5[%parallel_loop3A_654, %parallel_loop3A_655, %parallel_loop3A_656] {strides = array<i32>} : memref<2x16x768xf32, #tpu.memory_space<vmem>>, vector<1x1x16xf32>,
        %parallel_loop3A_658 = vector.shape_cast %parallel_loop3A_657 : vector<1x1x16xf32> to vector<16xf32>
        %parallel_loop3A_659 = arith.index_cast %select_n3A_196 : i32 to index
        %parallel_loop3A_660 = arith.index_cast %parallel_loop3A_279 : i32 to index
        %parallel_loop3A_661 = arith.constant 544 : index
        %parallel_loop3A_662 = tpu.vector_load %arg6[%parallel_loop3A_659, %parallel_loop3A_660, %parallel_loop3A_661] {strides = array<i32>} : memref<6x16x768xf32, #tpu.memory_space<vmem>>, vector<1x1x16xf32>,
        %parallel_loop3A_663 = vector.shape_cast %parallel_loop3A_662 : vector<1x1x16xf32> to vector<16xf32>
        %parallel_loop3A_664 = vector.shape_cast %parallel_loop3A_658 : vector<16xf32> to vector<1x1x16xf32>
        tpu.vector_store %arg6[%parallel_loop3A_659, %parallel_loop3A_660, %parallel_loop3A_661], %parallel_loop3A_664 {add = true, strides = array<i32>} : memref<6x16x768xf32, #tpu.memory_space<vmem>>, vector<1x1x16xf32>,
        %parallel_loop3A_665 = arith.index_cast %select_n3A_212 : i32 to index
        %parallel_loop3A_666 = arith.index_cast %parallel_loop3A_279 : i32 to index
        %parallel_loop3A_667 = arith.constant 560 : index
        %parallel_loop3A_668 = tpu.vector_load %arg5[%parallel_loop3A_665, %parallel_loop3A_666, %parallel_loop3A_667] {strides = array<i32>} : memref<2x16x768xf32, #tpu.memory_space<vmem>>, vector<1x1x16xf32>,
        %parallel_loop3A_669 = vector.shape_cast %parallel_loop3A_668 : vector<1x1x16xf32> to vector<16xf32>
        %parallel_loop3A_670 = arith.index_cast %select_n3A_196 : i32 to index
        %parallel_loop3A_671 = arith.index_cast %parallel_loop3A_279 : i32 to index
        %parallel_loop3A_672 = arith.constant 560 : index
        %parallel_loop3A_673 = tpu.vector_load %arg6[%parallel_loop3A_670, %parallel_loop3A_671, %parallel_loop3A_672] {strides = array<i32>} : memref<6x16x768xf32, #tpu.memory_space<vmem>>, vector<1x1x16xf32>,
        %parallel_loop3A_674 = vector.shape_cast %parallel_loop3A_673 : vector<1x1x16xf32> to vector<16xf32>
        %parallel_loop3A_675 = vector.shape_cast %parallel_loop3A_669 : vector<16xf32> to vector<1x1x16xf32>
        tpu.vector_store %arg6[%parallel_loop3A_670, %parallel_loop3A_671, %parallel_loop3A_672], %parallel_loop3A_675 {add = true, strides = array<i32>} : memref<6x16x768xf32, #tpu.memory_space<vmem>>, vector<1x1x16xf32>,
        %parallel_loop3A_676 = arith.index_cast %select_n3A_212 : i32 to index
        %parallel_loop3A_677 = arith.index_cast %parallel_loop3A_279 : i32 to index
        %parallel_loop3A_678 = arith.constant 576 : index
        %parallel_loop3A_679 = tpu.vector_load %arg5[%parallel_loop3A_676, %parallel_loop3A_677, %parallel_loop3A_678] {strides = array<i32>} : memref<2x16x768xf32, #tpu.memory_space<vmem>>, vector<1x1x16xf32>,
        %parallel_loop3A_680 = vector.shape_cast %parallel_loop3A_679 : vector<1x1x16xf32> to vector<16xf32>
        %parallel_loop3A_681 = arith.index_cast %select_n3A_196 : i32 to index
        %parallel_loop3A_682 = arith.index_cast %parallel_loop3A_279 : i32 to index
        %parallel_loop3A_683 = arith.constant 576 : index
        %parallel_loop3A_684 = tpu.vector_load %arg6[%parallel_loop3A_681, %parallel_loop3A_682, %parallel_loop3A_683] {strides = array<i32>} : memref<6x16x768xf32, #tpu.memory_space<vmem>>, vector<1x1x16xf32>,
        %parallel_loop3A_685 = vector.shape_cast %parallel_loop3A_684 : vector<1x1x16xf32> to vector<16xf32>
        %parallel_loop3A_686 = vector.shape_cast %parallel_loop3A_680 : vector<16xf32> to vector<1x1x16xf32>
        tpu.vector_store %arg6[%parallel_loop3A_681, %parallel_loop3A_682, %parallel_loop3A_683], %parallel_loop3A_686 {add = true, strides = array<i32>} : memref<6x16x768xf32, #tpu.memory_space<vmem>>, vector<1x1x16xf32>,
        %parallel_loop3A_687 = arith.index_cast %select_n3A_212 : i32 to index
        %parallel_loop3A_688 = arith.index_cast %parallel_loop3A_279 : i32 to index
        %parallel_loop3A_689 = arith.constant 592 : index
        %parallel_loop3A_690 = tpu.vector_load %arg5[%parallel_loop3A_687, %parallel_loop3A_688, %parallel_loop3A_689] {strides = array<i32>} : memref<2x16x768xf32, #tpu.memory_space<vmem>>, vector<1x1x16xf32>,
        %parallel_loop3A_691 = vector.shape_cast %parallel_loop3A_690 : vector<1x1x16xf32> to vector<16xf32>
        %parallel_loop3A_692 = arith.index_cast %select_n3A_196 : i32 to index
        %parallel_loop3A_693 = arith.index_cast %parallel_loop3A_279 : i32 to index
        %parallel_loop3A_694 = arith.constant 592 : index
        %parallel_loop3A_695 = tpu.vector_load %arg6[%parallel_loop3A_692, %parallel_loop3A_693, %parallel_loop3A_694] {strides = array<i32>} : memref<6x16x768xf32, #tpu.memory_space<vmem>>, vector<1x1x16xf32>,
        %parallel_loop3A_696 = vector.shape_cast %parallel_loop3A_695 : vector<1x1x16xf32> to vector<16xf32>
        %parallel_loop3A_697 = vector.shape_cast %parallel_loop3A_691 : vector<16xf32> to vector<1x1x16xf32>
        tpu.vector_store %arg6[%parallel_loop3A_692, %parallel_loop3A_693, %parallel_loop3A_694], %parallel_loop3A_697 {add = true, strides = array<i32>} : memref<6x16x768xf32, #tpu.memory_space<vmem>>, vector<1x1x16xf32>,
        %parallel_loop3A_698 = arith.index_cast %select_n3A_212 : i32 to index
        %parallel_loop3A_699 = arith.index_cast %parallel_loop3A_279 : i32 to index
        %parallel_loop3A_700 = arith.constant 608 : index
        %parallel_loop3A_701 = tpu.vector_load %arg5[%parallel_loop3A_698, %parallel_loop3A_699, %parallel_loop3A_700] {strides = array<i32>} : memref<2x16x768xf32, #tpu.memory_space<vmem>>, vector<1x1x16xf32>,
        %parallel_loop3A_702 = vector.shape_cast %parallel_loop3A_701 : vector<1x1x16xf32> to vector<16xf32>
        %parallel_loop3A_703 = arith.index_cast %select_n3A_196 : i32 to index
        %parallel_loop3A_704 = arith.index_cast %parallel_loop3A_279 : i32 to index
        %parallel_loop3A_705 = arith.constant 608 : index
        %parallel_loop3A_706 = tpu.vector_load %arg6[%parallel_loop3A_703, %parallel_loop3A_704, %parallel_loop3A_705] {strides = array<i32>} : memref<6x16x768xf32, #tpu.memory_space<vmem>>, vector<1x1x16xf32>,
        %parallel_loop3A_707 = vector.shape_cast %parallel_loop3A_706 : vector<1x1x16xf32> to vector<16xf32>
        %parallel_loop3A_708 = vector.shape_cast %parallel_loop3A_702 : vector<16xf32> to vector<1x1x16xf32>
        tpu.vector_store %arg6[%parallel_loop3A_703, %parallel_loop3A_704, %parallel_loop3A_705], %parallel_loop3A_708 {add = true, strides = array<i32>} : memref<6x16x768xf32, #tpu.memory_space<vmem>>, vector<1x1x16xf32>,
        %parallel_loop3A_709 = arith.index_cast %select_n3A_212 : i32 to index
        %parallel_loop3A_710 = arith.index_cast %parallel_loop3A_279 : i32 to index
        %parallel_loop3A_711 = arith.constant 624 : index
        %parallel_loop3A_712 = tpu.vector_load %arg5[%parallel_loop3A_709, %parallel_loop3A_710, %parallel_loop3A_711] {strides = array<i32>} : memref<2x16x768xf32, #tpu.memory_space<vmem>>, vector<1x1x16xf32>,
        %parallel_loop3A_713 = vector.shape_cast %parallel_loop3A_712 : vector<1x1x16xf32> to vector<16xf32>
        %parallel_loop3A_714 = arith.index_cast %select_n3A_196 : i32 to index
        %parallel_loop3A_715 = arith.index_cast %parallel_loop3A_279 : i32 to index
        %parallel_loop3A_716 = arith.constant 624 : index
        %parallel_loop3A_717 = tpu.vector_load %arg6[%parallel_loop3A_714, %parallel_loop3A_715, %parallel_loop3A_716] {strides = array<i32>} : memref<6x16x768xf32, #tpu.memory_space<vmem>>, vector<1x1x16xf32>,
        %parallel_loop3A_718 = vector.shape_cast %parallel_loop3A_717 : vector<1x1x16xf32> to vector<16xf32>
        %parallel_loop3A_719 = vector.shape_cast %parallel_loop3A_713 : vector<16xf32> to vector<1x1x16xf32>
        tpu.vector_store %arg6[%parallel_loop3A_714, %parallel_loop3A_715, %parallel_loop3A_716], %parallel_loop3A_719 {add = true, strides = array<i32>} : memref<6x16x768xf32, #tpu.memory_space<vmem>>, vector<1x1x16xf32>,
        %parallel_loop3A_720 = arith.index_cast %select_n3A_212 : i32 to index
        %parallel_loop3A_721 = arith.index_cast %parallel_loop3A_279 : i32 to index
        %parallel_loop3A_722 = arith.constant 640 : index
        %parallel_loop3A_723 = tpu.vector_load %arg5[%parallel_loop3A_720, %parallel_loop3A_721, %parallel_loop3A_722] {strides = array<i32>} : memref<2x16x768xf32, #tpu.memory_space<vmem>>, vector<1x1x16xf32>,
        %parallel_loop3A_724 = vector.shape_cast %parallel_loop3A_723 : vector<1x1x16xf32> to vector<16xf32>
        %parallel_loop3A_725 = arith.index_cast %select_n3A_196 : i32 to index
        %parallel_loop3A_726 = arith.index_cast %parallel_loop3A_279 : i32 to index
        %parallel_loop3A_727 = arith.constant 640 : index
        %parallel_loop3A_728 = tpu.vector_load %arg6[%parallel_loop3A_725, %parallel_loop3A_726, %parallel_loop3A_727] {strides = array<i32>} : memref<6x16x768xf32, #tpu.memory_space<vmem>>, vector<1x1x16xf32>,
        %parallel_loop3A_729 = vector.shape_cast %parallel_loop3A_728 : vector<1x1x16xf32> to vector<16xf32>
        %parallel_loop3A_730 = vector.shape_cast %parallel_loop3A_724 : vector<16xf32> to vector<1x1x16xf32>
        tpu.vector_store %arg6[%parallel_loop3A_725, %parallel_loop3A_726, %parallel_loop3A_727], %parallel_loop3A_730 {add = true, strides = array<i32>} : memref<6x16x768xf32, #tpu.memory_space<vmem>>, vector<1x1x16xf32>,
        %parallel_loop3A_731 = arith.index_cast %select_n3A_212 : i32 to index
        %parallel_loop3A_732 = arith.index_cast %parallel_loop3A_279 : i32 to index
        %parallel_loop3A_733 = arith.constant 656 : index
        %parallel_loop3A_734 = tpu.vector_load %arg5[%parallel_loop3A_731, %parallel_loop3A_732, %parallel_loop3A_733] {strides = array<i32>} : memref<2x16x768xf32, #tpu.memory_space<vmem>>, vector<1x1x16xf32>,
        %parallel_loop3A_735 = vector.shape_cast %parallel_loop3A_734 : vector<1x1x16xf32> to vector<16xf32>
        %parallel_loop3A_736 = arith.index_cast %select_n3A_196 : i32 to index
        %parallel_loop3A_737 = arith.index_cast %parallel_loop3A_279 : i32 to index
        %parallel_loop3A_738 = arith.constant 656 : index
        %parallel_loop3A_739 = tpu.vector_load %arg6[%parallel_loop3A_736, %parallel_loop3A_737, %parallel_loop3A_738] {strides = array<i32>} : memref<6x16x768xf32, #tpu.memory_space<vmem>>, vector<1x1x16xf32>,
        %parallel_loop3A_740 = vector.shape_cast %parallel_loop3A_739 : vector<1x1x16xf32> to vector<16xf32>
        %parallel_loop3A_741 = vector.shape_cast %parallel_loop3A_735 : vector<16xf32> to vector<1x1x16xf32>
        tpu.vector_store %arg6[%parallel_loop3A_736, %parallel_loop3A_737, %parallel_loop3A_738], %parallel_loop3A_741 {add = true, strides = array<i32>} : memref<6x16x768xf32, #tpu.memory_space<vmem>>, vector<1x1x16xf32>,
        %parallel_loop3A_742 = arith.index_cast %select_n3A_212 : i32 to index
        %parallel_loop3A_743 = arith.index_cast %parallel_loop3A_279 : i32 to index
        %parallel_loop3A_744 = arith.constant 672 : index
        %parallel_loop3A_745 = tpu.vector_load %arg5[%parallel_loop3A_742, %parallel_loop3A_743, %parallel_loop3A_744] {strides = array<i32>} : memref<2x16x768xf32, #tpu.memory_space<vmem>>, vector<1x1x16xf32>,
        %parallel_loop3A_746 = vector.shape_cast %parallel_loop3A_745 : vector<1x1x16xf32> to vector<16xf32>
        %parallel_loop3A_747 = arith.index_cast %select_n3A_196 : i32 to index
        %parallel_loop3A_748 = arith.index_cast %parallel_loop3A_279 : i32 to index
        %parallel_loop3A_749 = arith.constant 672 : index
        %parallel_loop3A_750 = tpu.vector_load %arg6[%parallel_loop3A_747, %parallel_loop3A_748, %parallel_loop3A_749] {strides = array<i32>} : memref<6x16x768xf32, #tpu.memory_space<vmem>>, vector<1x1x16xf32>,
        %parallel_loop3A_751 = vector.shape_cast %parallel_loop3A_750 : vector<1x1x16xf32> to vector<16xf32>
        %parallel_loop3A_752 = vector.shape_cast %parallel_loop3A_746 : vector<16xf32> to vector<1x1x16xf32>
        tpu.vector_store %arg6[%parallel_loop3A_747, %parallel_loop3A_748, %parallel_loop3A_749], %parallel_loop3A_752 {add = true, strides = array<i32>} : memref<6x16x768xf32, #tpu.memory_space<vmem>>, vector<1x1x16xf32>,
        %parallel_loop3A_753 = arith.index_cast %select_n3A_212 : i32 to index
        %parallel_loop3A_754 = arith.index_cast %parallel_loop3A_279 : i32 to index
        %parallel_loop3A_755 = arith.constant 688 : index
        %parallel_loop3A_756 = tpu.vector_load %arg5[%parallel_loop3A_753, %parallel_loop3A_754, %parallel_loop3A_755] {strides = array<i32>} : memref<2x16x768xf32, #tpu.memory_space<vmem>>, vector<1x1x16xf32>,
        %parallel_loop3A_757 = vector.shape_cast %parallel_loop3A_756 : vector<1x1x16xf32> to vector<16xf32>
        %parallel_loop3A_758 = arith.index_cast %select_n3A_196 : i32 to index
        %parallel_loop3A_759 = arith.index_cast %parallel_loop3A_279 : i32 to index
        %parallel_loop3A_760 = arith.constant 688 : index
        %parallel_loop3A_761 = tpu.vector_load %arg6[%parallel_loop3A_758, %parallel_loop3A_759, %parallel_loop3A_760] {strides = array<i32>} : memref<6x16x768xf32, #tpu.memory_space<vmem>>, vector<1x1x16xf32>,
        %parallel_loop3A_762 = vector.shape_cast %parallel_loop3A_761 : vector<1x1x16xf32> to vector<16xf32>
        %parallel_loop3A_763 = vector.shape_cast %parallel_loop3A_757 : vector<16xf32> to vector<1x1x16xf32>
        tpu.vector_store %arg6[%parallel_loop3A_758, %parallel_loop3A_759, %parallel_loop3A_760], %parallel_loop3A_763 {add = true, strides = array<i32>} : memref<6x16x768xf32, #tpu.memory_space<vmem>>, vector<1x1x16xf32>,
        %parallel_loop3A_764 = arith.index_cast %select_n3A_212 : i32 to index
        %parallel_loop3A_765 = arith.index_cast %parallel_loop3A_279 : i32 to index
        %parallel_loop3A_766 = arith.constant 704 : index
        %parallel_loop3A_767 = tpu.vector_load %arg5[%parallel_loop3A_764, %parallel_loop3A_765, %parallel_loop3A_766] {strides = array<i32>} : memref<2x16x768xf32, #tpu.memory_space<vmem>>, vector<1x1x16xf32>,
        %parallel_loop3A_768 = vector.shape_cast %parallel_loop3A_767 : vector<1x1x16xf32> to vector<16xf32>
        %parallel_loop3A_769 = arith.index_cast %select_n3A_196 : i32 to index
        %parallel_loop3A_770 = arith.index_cast %parallel_loop3A_279 : i32 to index
        %parallel_loop3A_771 = arith.constant 704 : index
        %parallel_loop3A_772 = tpu.vector_load %arg6[%parallel_loop3A_769, %parallel_loop3A_770, %parallel_loop3A_771] {strides = array<i32>} : memref<6x16x768xf32, #tpu.memory_space<vmem>>, vector<1x1x16xf32>,
        %parallel_loop3A_773 = vector.shape_cast %parallel_loop3A_772 : vector<1x1x16xf32> to vector<16xf32>
        %parallel_loop3A_774 = vector.shape_cast %parallel_loop3A_768 : vector<16xf32> to vector<1x1x16xf32>
        tpu.vector_store %arg6[%parallel_loop3A_769, %parallel_loop3A_770, %parallel_loop3A_771], %parallel_loop3A_774 {add = true, strides = array<i32>} : memref<6x16x768xf32, #tpu.memory_space<vmem>>, vector<1x1x16xf32>,
        %parallel_loop3A_775 = arith.index_cast %select_n3A_212 : i32 to index
        %parallel_loop3A_776 = arith.index_cast %parallel_loop3A_279 : i32 to index
        %parallel_loop3A_777 = arith.constant 720 : index
        %parallel_loop3A_778 = tpu.vector_load %arg5[%parallel_loop3A_775, %parallel_loop3A_776, %parallel_loop3A_777] {strides = array<i32>} : memref<2x16x768xf32, #tpu.memory_space<vmem>>, vector<1x1x16xf32>,
        %parallel_loop3A_779 = vector.shape_cast %parallel_loop3A_778 : vector<1x1x16xf32> to vector<16xf32>
        %parallel_loop3A_780 = arith.index_cast %select_n3A_196 : i32 to index
        %parallel_loop3A_781 = arith.index_cast %parallel_loop3A_279 : i32 to index
        %parallel_loop3A_782 = arith.constant 720 : index
        %parallel_loop3A_783 = tpu.vector_load %arg6[%parallel_loop3A_780, %parallel_loop3A_781, %parallel_loop3A_782] {strides = array<i32>} : memref<6x16x768xf32, #tpu.memory_space<vmem>>, vector<1x1x16xf32>,
        %parallel_loop3A_784 = vector.shape_cast %parallel_loop3A_783 : vector<1x1x16xf32> to vector<16xf32>
        %parallel_loop3A_785 = vector.shape_cast %parallel_loop3A_779 : vector<16xf32> to vector<1x1x16xf32>
        tpu.vector_store %arg6[%parallel_loop3A_780, %parallel_loop3A_781, %parallel_loop3A_782], %parallel_loop3A_785 {add = true, strides = array<i32>} : memref<6x16x768xf32, #tpu.memory_space<vmem>>, vector<1x1x16xf32>,
        %parallel_loop3A_786 = arith.index_cast %select_n3A_212 : i32 to index
        %parallel_loop3A_787 = arith.index_cast %parallel_loop3A_279 : i32 to index
        %parallel_loop3A_788 = arith.constant 736 : index
        %parallel_loop3A_789 = tpu.vector_load %arg5[%parallel_loop3A_786, %parallel_loop3A_787, %parallel_loop3A_788] {strides = array<i32>} : memref<2x16x768xf32, #tpu.memory_space<vmem>>, vector<1x1x16xf32>,
        %parallel_loop3A_790 = vector.shape_cast %parallel_loop3A_789 : vector<1x1x16xf32> to vector<16xf32>
        %parallel_loop3A_791 = arith.index_cast %select_n3A_196 : i32 to index
        %parallel_loop3A_792 = arith.index_cast %parallel_loop3A_279 : i32 to index
        %parallel_loop3A_793 = arith.constant 736 : index
        %parallel_loop3A_794 = tpu.vector_load %arg6[%parallel_loop3A_791, %parallel_loop3A_792, %parallel_loop3A_793] {strides = array<i32>} : memref<6x16x768xf32, #tpu.memory_space<vmem>>, vector<1x1x16xf32>,
        %parallel_loop3A_795 = vector.shape_cast %parallel_loop3A_794 : vector<1x1x16xf32> to vector<16xf32>
        %parallel_loop3A_796 = vector.shape_cast %parallel_loop3A_790 : vector<16xf32> to vector<1x1x16xf32>
        tpu.vector_store %arg6[%parallel_loop3A_791, %parallel_loop3A_792, %parallel_loop3A_793], %parallel_loop3A_796 {add = true, strides = array<i32>} : memref<6x16x768xf32, #tpu.memory_space<vmem>>, vector<1x1x16xf32>,
        %parallel_loop3A_797 = arith.index_cast %select_n3A_212 : i32 to index
        %parallel_loop3A_798 = arith.index_cast %parallel_loop3A_279 : i32 to index
        %parallel_loop3A_799 = arith.constant 752 : index
        %parallel_loop3A_800 = tpu.vector_load %arg5[%parallel_loop3A_797, %parallel_loop3A_798, %parallel_loop3A_799] {strides = array<i32>} : memref<2x16x768xf32, #tpu.memory_space<vmem>>, vector<1x1x16xf32>,
        %parallel_loop3A_801 = vector.shape_cast %parallel_loop3A_800 : vector<1x1x16xf32> to vector<16xf32>
        %parallel_loop3A_802 = arith.index_cast %select_n3A_196 : i32 to index
        %parallel_loop3A_803 = arith.index_cast %parallel_loop3A_279 : i32 to index
        %parallel_loop3A_804 = arith.constant 752 : index
        %parallel_loop3A_805 = tpu.vector_load %arg6[%parallel_loop3A_802, %parallel_loop3A_803, %parallel_loop3A_804] {strides = array<i32>} : memref<6x16x768xf32, #tpu.memory_space<vmem>>, vector<1x1x16xf32>,
        %parallel_loop3A_806 = vector.shape_cast %parallel_loop3A_805 : vector<1x1x16xf32> to vector<16xf32>
        %parallel_loop3A_807 = vector.shape_cast %parallel_loop3A_801 : vector<16xf32> to vector<1x1x16xf32>
        tpu.vector_store %arg6[%parallel_loop3A_802, %parallel_loop3A_803, %parallel_loop3A_804], %parallel_loop3A_807 {add = true, strides = array<i32>} : memref<6x16x768xf32, #tpu.memory_space<vmem>>, vector<1x1x16xf32>,
      } {sc.loop_unroll_factor = 2 : i64, sc.parallel_access}
      %mul3A_247 = arith.constant 16 : i32
      %mul3A_248 = arith.muli %select_n3A, %mul3A_247 : i32
      %add3A_249 = arith.addi %mul3A_2, %mul3A_248 : i32
      %dma_start3A_250 = arith.constant 0 : i32
      %dma_start3A_251 = arith.constant 0 : i32
      %dma_start3A_252 = tpu.memref_slice %arg6[%select_n3A_196, %dma_start3A_250, %dma_start3A_251] : memref<6x16x768xf32, #tpu.memory_space<vmem>> -> memref<1x16x768xf32, #tpu.memory_space<vmem>>
      %dma_start3A_253 = tpu.memref_squeeze %dma_start3A_252 : memref<1x16x768xf32, #tpu.memory_space<vmem>> -> memref<16x768xf32, #tpu.memory_space<vmem>>
      %dma_start3A_254 = arith.constant 0 : i32
      %dma_start3A_255 = tpu.memref_slice %arg4[%select_n3A_180, %add3A_249, %dma_start3A_254] : memref<4x8192x768xf32, #tpu.memory_space<hbm>> -> memref<1x16x768xf32, #tpu.memory_space<hbm>>
      %dma_start3A_256 = tpu.memref_squeeze %dma_start3A_255 : memref<1x16x768xf32, #tpu.memory_space<hbm>> -> memref<16x768xf32, #tpu.memory_space<hbm>>
      %dma_start3A_257 = tpu.memref_slice %arg8[%select_n3A_196] : memref<6x!tpu.dma_semaphore, #tpu.memory_space<semaphore_mem>> -> memref<1x!tpu.dma_semaphore, #tpu.memory_space<semaphore_mem>>
      %dma_start3A_258 = tpu.memref_squeeze %dma_start3A_257 : memref<1x!tpu.dma_semaphore, #tpu.memory_space<semaphore_mem>> -> memref<!tpu.dma_semaphore, #tpu.memory_space<semaphore_mem>>
      %dma_start3A_259 = arith.constant 0 : i32
      %dma_start3A_260 = tpu.memref_slice %arg4[%select_n3A_180, %add3A_249, %dma_start3A_259] : memref<4x8192x768xf32, #tpu.memory_space<hbm>> -> memref<1x16x768xf32, #tpu.memory_space<hbm>>
      %dma_start3A_261 = tpu.memref_squeeze %dma_start3A_260 : memref<1x16x768xf32, #tpu.memory_space<hbm>> -> memref<16x768xf32, #tpu.memory_space<hbm>>
      %dma_start3A_262 = arith.constant 0 : i32
      %dma_start3A_263 = arith.constant 0 : i32
      %dma_start3A_264 = tpu.memref_slice %arg6[%select_n3A_196, %dma_start3A_262, %dma_start3A_263] : memref<6x16x768xf32, #tpu.memory_space<vmem>> -> memref<1x16x768xf32, #tpu.memory_space<vmem>>
      %dma_start3A_265 = tpu.memref_squeeze %dma_start3A_264 : memref<1x16x768xf32, #tpu.memory_space<vmem>> -> memref<16x768xf32, #tpu.memory_space<vmem>>
      tpu.enqueue_dma source(%dma_start3A_265 : memref<16x768xf32, #tpu.memory_space<vmem>>) target(%dma_start3A_261 : memref<16x768xf32, #tpu.memory_space<hbm>>) target_semaphore(%dma_start3A_258 : memref<!tpu.dma_semaphore, #tpu.memory_space<semaphore_mem>>)
      %ge3A = arith.constant 1 : i32
      %ge3A_266 = arith.cmpi sge, %scan3A_150, %ge3A : i32
      %convert_element_type3A_267 = arith.extui %ge3A_266 : i1 to i32
      %cond3A_268 = arith.constant 0 : i32
      %cond3A_269 = arith.cmpi ne, %convert_element_type3A_267, %cond3A_268 : i32
      scf.if %cond3A_269 {
        %sub3A_279 = arith.constant 1 : i32
        %sub3A_280 = arith.subi %scan3A_150, %sub3A_279 : i32
        %jit3A_281 = arith.constant 4 : i32
        %div3A_282 = arith.divsi %sub3A_280, %jit3A_281 : i32
        %sign3A_283 = arith.constant 0 : i32
        %sign3A_284 = arith.cmpi sgt, %sub3A_280, %sign3A_283 : i32
        %sign3A_285 = arith.extui %sign3A_284 : i1 to i32
        %sign3A_286 = arith.constant 0 : i32
        %sign3A_287 = arith.cmpi slt, %sub3A_280, %sign3A_286 : i32
        %sign3A_288 = arith.extui %sign3A_287 : i1 to i32
        %sign3A_289 = arith.subi %sign3A_285, %sign3A_288 : i32
        %sign3A_290 = arith.constant 0 : i32
        %sign3A_291 = arith.cmpi sgt, %jit3A_281, %sign3A_290 : i32
        %sign3A_292 = arith.extui %sign3A_291 : i1 to i32
        %sign3A_293 = arith.constant 0 : i32
        %sign3A_294 = arith.cmpi slt, %jit3A_281, %sign3A_293 : i32
        %sign3A_295 = arith.extui %sign3A_294 : i1 to i32
        %sign3A_296 = arith.subi %sign3A_292, %sign3A_295 : i32
        %ne3A_297 = arith.cmpi ne, %sign3A_289, %sign3A_296 : i32
        %rem3A_298 = arith.remsi %sub3A_280, %jit3A_281 : i32
        %ne3A_299 = arith.constant 0 : i32
        %ne3A_300 = arith.cmpi ne, %rem3A_298, %ne3A_299 : i32
        %and3A_301 = arith.andi %ne3A_297, %ne3A_300 : i1
        %sub3A_302 = arith.constant 1 : i32
        %sub3A_303 = arith.subi %div3A_282, %sub3A_302 : i32
        %select_n3A_304 = arith.select %and3A_301, %sub3A_303, %div3A_282 : i32
        %jit3A_305 = arith.constant 4 : i32
        %eq3A_306 = arith.constant 0 : i32
        %eq3A_307 = arith.cmpi eq, %jit3A_305, %eq3A_306 : i32
        %jit3A_308 = arith.constant 1 : i32
        %select_n3A_309 = arith.select %eq3A_307, %jit3A_308, %jit3A_305 : i32
        %rem3A_310 = arith.remsi %sub3A_280, %select_n3A_309 : i32
        %ne3A_311 = arith.constant 0 : i32
        %ne3A_312 = arith.cmpi ne, %rem3A_310, %ne3A_311 : i32
        %lt3A_313 = arith.constant 0 : i32
        %lt3A_314 = arith.cmpi slt, %rem3A_310, %lt3A_313 : i32
        %lt3A_315 = arith.constant 0 : i32
        %lt3A_316 = arith.cmpi slt, %select_n3A_309, %lt3A_315 : i32
        %ne3A_317 = arith.xori %lt3A_314, %lt3A_316 : i1
        %and3A_318 = arith.andi %ne3A_317, %ne3A_312 : i1
        %add3A_319 = arith.addi %rem3A_310, %select_n3A_309 : i32
        %select_n3A_320 = arith.select %and3A_318, %add3A_319, %rem3A_310 : i32
        %jit3A_321 = arith.constant 6 : i32
        %eq3A_322 = arith.constant 0 : i32
        %eq3A_323 = arith.cmpi eq, %jit3A_321, %eq3A_322 : i32
        %jit3A_324 = arith.constant 1 : i32
        %select_n3A_325 = arith.select %eq3A_323, %jit3A_324, %jit3A_321 : i32
        %rem3A_326 = arith.remsi %sub3A_280, %select_n3A_325 : i32
        %ne3A_327 = arith.constant 0 : i32
        %ne3A_328 = arith.cmpi ne, %rem3A_326, %ne3A_327 : i32
        %lt3A_329 = arith.constant 0 : i32
        %lt3A_330 = arith.cmpi slt, %rem3A_326, %lt3A_329 : i32
        %lt3A_331 = arith.constant 0 : i32
        %lt3A_332 = arith.cmpi slt, %select_n3A_325, %lt3A_331 : i32
        %ne3A_333 = arith.xori %lt3A_330, %lt3A_332 : i1
        %and3A_334 = arith.andi %ne3A_333, %ne3A_328 : i1
        %add3A_335 = arith.addi %rem3A_326, %select_n3A_325 : i32
        %select_n3A_336 = arith.select %and3A_334, %add3A_335, %rem3A_326 : i32
        %mul3A_337 = arith.constant 16 : i32
        %mul3A_338 = arith.muli %select_n3A_304, %mul3A_337 : i32
        %add3A_339 = arith.addi %mul3A_2, %mul3A_338 : i32
        %jit3A_340 = arith.constant 6 : i32
        %eq3A_341 = arith.constant 0 : i32
        %eq3A_342 = arith.cmpi eq, %jit3A_340, %eq3A_341 : i32
        %jit3A_343 = arith.constant 1 : i32
        %select_n3A_344 = arith.select %eq3A_342, %jit3A_343, %jit3A_340 : i32
        %rem3A_345 = arith.remsi %sub3A_280, %select_n3A_344 : i32
        %ne3A_346 = arith.constant 0 : i32
        %ne3A_347 = arith.cmpi ne, %rem3A_345, %ne3A_346 : i32
        %lt3A_348 = arith.constant 0 : i32
        %lt3A_349 = arith.cmpi slt, %rem3A_345, %lt3A_348 : i32
        %lt3A_350 = arith.constant 0 : i32
        %lt3A_351 = arith.cmpi slt, %select_n3A_344, %lt3A_350 : i32
        %ne3A_352 = arith.xori %lt3A_349, %lt3A_351 : i1
        %and3A_353 = arith.andi %ne3A_352, %ne3A_347 : i1
        %add3A_354 = arith.addi %rem3A_345, %select_n3A_344 : i32
        %select_n3A_355 = arith.select %and3A_353, %add3A_354, %rem3A_345 : i32
        %dma_wait3A_356 = arith.constant 0 : i32
        %dma_wait3A_357 = arith.constant 0 : i32
        %dma_wait3A_358 = tpu.memref_slice %arg6[%select_n3A_336, %dma_wait3A_356, %dma_wait3A_357] : memref<6x16x768xf32, #tpu.memory_space<vmem>> -> memref<1x16x768xf32, #tpu.memory_space<vmem>>
        %dma_wait3A_359 = tpu.memref_squeeze %dma_wait3A_358 : memref<1x16x768xf32, #tpu.memory_space<vmem>> -> memref<16x768xf32, #tpu.memory_space<vmem>>
        %dma_wait3A_360 = arith.constant 0 : i32
        %dma_wait3A_361 = tpu.memref_slice %arg4[%select_n3A_320, %add3A_339, %dma_wait3A_360] : memref<4x8192x768xf32, #tpu.memory_space<hbm>> -> memref<1x16x768xf32, #tpu.memory_space<hbm>>
        %dma_wait3A_362 = tpu.memref_squeeze %dma_wait3A_361 : memref<1x16x768xf32, #tpu.memory_space<hbm>> -> memref<16x768xf32, #tpu.memory_space<hbm>>
        %dma_wait3A_363 = tpu.memref_slice %arg8[%select_n3A_355] : memref<6x!tpu.dma_semaphore, #tpu.memory_space<semaphore_mem>> -> memref<1x!tpu.dma_semaphore, #tpu.memory_space<semaphore_mem>>
        %dma_wait3A_364 = tpu.memref_squeeze %dma_wait3A_363 : memref<1x!tpu.dma_semaphore, #tpu.memory_space<semaphore_mem>> -> memref<!tpu.dma_semaphore, #tpu.memory_space<semaphore_mem>>
        %dma_wait3A_365 = arith.constant 0 : i32
        %dma_wait3A_366 = tpu.memref_slice %arg4[%select_n3A_320, %add3A_339, %dma_wait3A_365] : memref<4x8192x768xf32, #tpu.memory_space<hbm>> -> memref<1x16x768xf32, #tpu.memory_space<hbm>>
        %dma_wait3A_367 = tpu.memref_squeeze %dma_wait3A_366 : memref<1x16x768xf32, #tpu.memory_space<hbm>> -> memref<16x768xf32, #tpu.memory_space<hbm>>
        %dma_wait3A_368 = arith.constant 0 : i32
        %dma_wait3A_369 = arith.constant 0 : i32
        %dma_wait3A_370 = tpu.memref_slice %arg6[%select_n3A_336, %dma_wait3A_368, %dma_wait3A_369] : memref<6x16x768xf32, #tpu.memory_space<vmem>> -> memref<1x16x768xf32, #tpu.memory_space<vmem>>
        %dma_wait3A_371 = tpu.memref_squeeze %dma_wait3A_370 : memref<1x16x768xf32, #tpu.memory_space<vmem>> -> memref<16x768xf32, #tpu.memory_space<vmem>>
        tpu.wait_dma2 semaphore(%dma_wait3A_364 : memref<!tpu.dma_semaphore, #tpu.memory_space<semaphore_mem>>) src(%dma_wait3A_371 : memref<16x768xf32, #tpu.memory_space<vmem>>) dst(%dma_wait3A_367 : memref<16x768xf32, #tpu.memory_space<hbm>>)
      } else {
      }
      %add3A_270 = arith.constant 6 : i32
      %add3A_271 = arith.addi %scan3A_150, %add3A_270 : i32
      %sub3A_272 = arith.constant 1 : i32
      %sub3A_273 = arith.subi %add3A_271, %sub3A_272 : i32
      %lt3A_274 = arith.constant 64 : i32
      %lt3A_275 = arith.cmpi slt, %sub3A_273, %lt3A_274 : i32
      %convert_element_type3A_276 = arith.extui %lt3A_275 : i1 to i32
      %cond3A_277 = arith.constant 0 : i32
      %cond3A_278 = arith.cmpi ne, %convert_element_type3A_276, %cond3A_277 : i32
      scf.if %cond3A_278 {
        %add3A_279 = arith.constant 6 : i32
        %add3A_280 = arith.addi %scan3A_150, %add3A_279 : i32
        %sub3A_281 = arith.constant 1 : i32
        %sub3A_282 = arith.subi %add3A_280, %sub3A_281 : i32
        %add3A_283 = arith.constant 6 : i32
        %add3A_284 = arith.addi %scan3A_150, %add3A_283 : i32
        %sub3A_285 = arith.constant 1 : i32
        %sub3A_286 = arith.subi %add3A_284, %sub3A_285 : i32
        %jit3A_287 = arith.constant 6 : i32
        %eq3A_288 = arith.constant 0 : i32
        %eq3A_289 = arith.cmpi eq, %jit3A_287, %eq3A_288 : i32
        %jit3A_290 = arith.constant 1 : i32
        %select_n3A_291 = arith.select %eq3A_289, %jit3A_290, %jit3A_287 : i32
        %rem3A_292 = arith.remsi %sub3A_286, %select_n3A_291 : i32
        %ne3A_293 = arith.constant 0 : i32
        %ne3A_294 = arith.cmpi ne, %rem3A_292, %ne3A_293 : i32
        %lt3A_295 = arith.constant 0 : i32
        %lt3A_296 = arith.cmpi slt, %rem3A_292, %lt3A_295 : i32
        %lt3A_297 = arith.constant 0 : i32
        %lt3A_298 = arith.cmpi slt, %select_n3A_291, %lt3A_297 : i32
        %ne3A_299 = arith.xori %lt3A_296, %lt3A_298 : i1
        %and3A_300 = arith.andi %ne3A_299, %ne3A_294 : i1
        %add3A_301 = arith.addi %rem3A_292, %select_n3A_291 : i32
        %select_n3A_302 = arith.select %and3A_300, %add3A_301, %rem3A_292 : i32
        %jit3A_303 = arith.constant 4 : i32
        %div3A_304 = arith.divsi %sub3A_282, %jit3A_303 : i32
        %sign3A_305 = arith.constant 0 : i32
        %sign3A_306 = arith.cmpi sgt, %sub3A_282, %sign3A_305 : i32
        %sign3A_307 = arith.extui %sign3A_306 : i1 to i32
        %sign3A_308 = arith.constant 0 : i32
        %sign3A_309 = arith.cmpi slt, %sub3A_282, %sign3A_308 : i32
        %sign3A_310 = arith.extui %sign3A_309 : i1 to i32
        %sign3A_311 = arith.subi %sign3A_307, %sign3A_310 : i32
        %sign3A_312 = arith.constant 0 : i32
        %sign3A_313 = arith.cmpi sgt, %jit3A_303, %sign3A_312 : i32
        %sign3A_314 = arith.extui %sign3A_313 : i1 to i32
        %sign3A_315 = arith.constant 0 : i32
        %sign3A_316 = arith.cmpi slt, %jit3A_303, %sign3A_315 : i32
        %sign3A_317 = arith.extui %sign3A_316 : i1 to i32
        %sign3A_318 = arith.subi %sign3A_314, %sign3A_317 : i32
        %ne3A_319 = arith.cmpi ne, %sign3A_311, %sign3A_318 : i32
        %rem3A_320 = arith.remsi %sub3A_282, %jit3A_303 : i32
        %ne3A_321 = arith.constant 0 : i32
        %ne3A_322 = arith.cmpi ne, %rem3A_320, %ne3A_321 : i32
        %and3A_323 = arith.andi %ne3A_319, %ne3A_322 : i1
        %sub3A_324 = arith.constant 1 : i32
        %sub3A_325 = arith.subi %div3A_304, %sub3A_324 : i32
        %select_n3A_326 = arith.select %and3A_323, %sub3A_325, %div3A_304 : i32
        %jit3A_327 = arith.constant 4 : i32
        %eq3A_328 = arith.constant 0 : i32
        %eq3A_329 = arith.cmpi eq, %jit3A_327, %eq3A_328 : i32
        %jit3A_330 = arith.constant 1 : i32
        %select_n3A_331 = arith.select %eq3A_329, %jit3A_330, %jit3A_327 : i32
        %rem3A_332 = arith.remsi %sub3A_282, %select_n3A_331 : i32
        %ne3A_333 = arith.constant 0 : i32
        %ne3A_334 = arith.cmpi ne, %rem3A_332, %ne3A_333 : i32
        %lt3A_335 = arith.constant 0 : i32
        %lt3A_336 = arith.cmpi slt, %rem3A_332, %lt3A_335 : i32
        %lt3A_337 = arith.constant 0 : i32
        %lt3A_338 = arith.cmpi slt, %select_n3A_331, %lt3A_337 : i32
        %ne3A_339 = arith.xori %lt3A_336, %lt3A_338 : i1
        %and3A_340 = arith.andi %ne3A_339, %ne3A_334 : i1
        %add3A_341 = arith.addi %rem3A_332, %select_n3A_331 : i32
        %select_n3A_342 = arith.select %and3A_340, %add3A_341, %rem3A_332 : i32
        %mul3A_343 = arith.constant 16 : i32
        %mul3A_344 = arith.muli %select_n3A_326, %mul3A_343 : i32
        %add3A_345 = arith.addi %mul3A_2, %mul3A_344 : i32
        %dma_start3A_346 = arith.constant 0 : i32
        %dma_start3A_347 = arith.constant 0 : i32
        %dma_start3A_348 = tpu.memref_slice %arg6[%select_n3A_302, %dma_start3A_346, %dma_start3A_347] : memref<6x16x768xf32, #tpu.memory_space<vmem>> -> memref<1x16x768xf32, #tpu.memory_space<vmem>>
        %dma_start3A_349 = tpu.memref_squeeze %dma_start3A_348 : memref<1x16x768xf32, #tpu.memory_space<vmem>> -> memref<16x768xf32, #tpu.memory_space<vmem>>
        %dma_start3A_350 = arith.constant 0 : i32
        %dma_start3A_351 = tpu.memref_slice %arg2[%select_n3A_342, %add3A_345, %dma_start3A_350] : memref<4x8192x768xf32, #tpu.memory_space<hbm>> -> memref<1x16x768xf32, #tpu.memory_space<hbm>>
        %dma_start3A_352 = tpu.memref_squeeze %dma_start3A_351 : memref<1x16x768xf32, #tpu.memory_space<hbm>> -> memref<16x768xf32, #tpu.memory_space<hbm>>
        %dma_start3A_353 = tpu.memref_slice %arg7[%select_n3A_302] : memref<6x!tpu.dma_semaphore, #tpu.memory_space<semaphore_mem>> -> memref<1x!tpu.dma_semaphore, #tpu.memory_space<semaphore_mem>>
        %dma_start3A_354 = tpu.memref_squeeze %dma_start3A_353 : memref<1x!tpu.dma_semaphore, #tpu.memory_space<semaphore_mem>> -> memref<!tpu.dma_semaphore, #tpu.memory_space<semaphore_mem>>
        %dma_start3A_355 = arith.constant 0 : i32
        %dma_start3A_356 = arith.constant 0 : i32
        %dma_start3A_357 = tpu.memref_slice %arg6[%select_n3A_302, %dma_start3A_355, %dma_start3A_356] : memref<6x16x768xf32, #tpu.memory_space<vmem>> -> memref<1x16x768xf32, #tpu.memory_space<vmem>>
        %dma_start3A_358 = tpu.memref_squeeze %dma_start3A_357 : memref<1x16x768xf32, #tpu.memory_space<vmem>> -> memref<16x768xf32, #tpu.memory_space<vmem>>
        %dma_start3A_359 = arith.constant 0 : i32
        %dma_start3A_360 = tpu.memref_slice %arg2[%select_n3A_342, %add3A_345, %dma_start3A_359] : memref<4x8192x768xf32, #tpu.memory_space<hbm>> -> memref<1x16x768xf32, #tpu.memory_space<hbm>>
        %dma_start3A_361 = tpu.memref_squeeze %dma_start3A_360 : memref<1x16x768xf32, #tpu.memory_space<hbm>> -> memref<16x768xf32, #tpu.memory_space<hbm>>
        tpu.enqueue_dma source(%dma_start3A_361 : memref<16x768xf32, #tpu.memory_space<hbm>>) target(%dma_start3A_358 : memref<16x768xf32, #tpu.memory_space<vmem>>) target_semaphore(%dma_start3A_354 : memref<!tpu.dma_semaphore, #tpu.memory_space<semaphore_mem>>)
      } else {
      }
    }
    %scan3A_129 = arith.constant 64 : i32
    %add3A_130 = arith.constant 240 : i32
    %add3A_131 = arith.addi %mul3A_2, %add3A_130 : i32
    %dma_wait3A = arith.constant 3 : i32
    %dma_wait3A_132 = arith.constant 3 : i32
    %dma_wait3A_133 = arith.constant 3 : i32
    %dma_wait3A_134 = arith.constant 0 : i32
    %dma_wait3A_135 = arith.constant 0 : i32
    %dma_wait3A_136 = tpu.memref_slice %arg6[%dma_wait3A, %dma_wait3A_134, %dma_wait3A_135] : memref<6x16x768xf32, #tpu.memory_space<vmem>> -> memref<1x16x768xf32, #tpu.memory_space<vmem>>
    %dma_wait3A_137 = tpu.memref_squeeze %dma_wait3A_136 : memref<1x16x768xf32, #tpu.memory_space<vmem>> -> memref<16x768xf32, #tpu.memory_space<vmem>>
    %dma_wait3A_138 = arith.constant 0 : i32
    %dma_wait3A_139 = tpu.memref_slice %arg4[%dma_wait3A_132, %add3A_131, %dma_wait3A_138] : memref<4x8192x768xf32, #tpu.memory_space<hbm>> -> memref<1x16x768xf32, #tpu.memory_space<hbm>>
    %dma_wait3A_140 = tpu.memref_squeeze %dma_wait3A_139 : memref<1x16x768xf32, #tpu.memory_space<hbm>> -> memref<16x768xf32, #tpu.memory_space<hbm>>
    %dma_wait3A_141 = tpu.memref_slice %arg8[%dma_wait3A_133] : memref<6x!tpu.dma_semaphore, #tpu.memory_space<semaphore_mem>> -> memref<1x!tpu.dma_semaphore, #tpu.memory_space<semaphore_mem>>
    %dma_wait3A_142 = tpu.memref_squeeze %dma_wait3A_141 : memref<1x!tpu.dma_semaphore, #tpu.memory_space<semaphore_mem>> -> memref<!tpu.dma_semaphore, #tpu.memory_space<semaphore_mem>>
    %dma_wait3A_143 = arith.constant 0 : i32
    %dma_wait3A_144 = tpu.memref_slice %arg4[%dma_wait3A_132, %add3A_131, %dma_wait3A_143] : memref<4x8192x768xf32, #tpu.memory_space<hbm>> -> memref<1x16x768xf32, #tpu.memory_space<hbm>>
    %dma_wait3A_145 = tpu.memref_squeeze %dma_wait3A_144 : memref<1x16x768xf32, #tpu.memory_space<hbm>> -> memref<16x768xf32, #tpu.memory_space<hbm>>
    %dma_wait3A_146 = arith.constant 0 : i32
    %dma_wait3A_147 = arith.constant 0 : i32
    %dma_wait3A_148 = tpu.memref_slice %arg6[%dma_wait3A, %dma_wait3A_146, %dma_wait3A_147] : memref<6x16x768xf32, #tpu.memory_space<vmem>> -> memref<1x16x768xf32, #tpu.memory_space<vmem>>
    %dma_wait3A_149 = tpu.memref_squeeze %dma_wait3A_148 : memref<1x16x768xf32, #tpu.memory_space<vmem>> -> memref<16x768xf32, #tpu.memory_space<vmem>>
    tpu.wait_dma2 semaphore(%dma_wait3A_142 : memref<!tpu.dma_semaphore, #tpu.memory_space<semaphore_mem>>) src(%dma_wait3A_149 : memref<16x768xf32, #tpu.memory_space<vmem>>) dst(%dma_wait3A_145 : memref<16x768xf32, #tpu.memory_space<hbm>>)
    return
  }
}

</mosaic_0001>

<sc_bundles>
// kernel: kernel.3.cloned.1.call-start
scs
__scs_entry_jumppad:
0x0: {  	(pc) =	sbr.rel $0x88, $3  }
0x1: {  	(tag) =	ssettag $0x0;
	lr =	simm.s32 $0x1  }
0x2: {  	[smem:$0x3F9F] =	sst lr;
	_ =	strace $0xD0000000  }
0x3: {  	_ = 	snop  }
0x4: {  	_ = 	snop  }
0x5: {  	_ = 	snop  }
0x6: {  	_ = 	snop  }
0x7: {  	_ = 	snop  }
__scs_overlays_trampoline_lowered:
0x8: {  	[smem:$0x3FAE] =	sst s0  }
0x9: {  	[smem:$0x3FAF] =	sst s1  }
0xa: {  	[smem:$0x3FB0] =	sst s2  }
0xb: {  	[smem:$0x3FB1] =	sst s3  }
0xc: {  	[smem:$0x3FB2] =	sst s4  }
0xd: {  	[smem:$0x3FB3] =	sst s5  }
0xe: {  	[smem:$0x3FB4] =	sst s6  }
0xf: {  	[smem:$0x3FB5] =	sst s7  }
0x10: {  	[smem:$0x3FB6] =	sst s8  }
0x11: {  	[smem:$0x3FB7] =	sst s9;
	s0 =	simm.s32 @!p0 $0x0  }
0x12: {  	s1 =	sld [smem:$0x3F9D];
	s0 =	simm.s32 @p0 $0x1  }
0x13: {  	[smem:$0x3FB8] =	sst s0;
	s0 =	simm.s32 @!p1 $0x0  }
0x14: {  	s2 =	sld [smem:$0x3F9C];
	s0 =	simm.s32 @p1 $0x1  }
0x15: {  	[smem:$0x3FB9] =	sst s0;
	s0 =	simm.s32 @!p2 $0x0  }
0x16: {  	s3 =	sld [smem:$0x3FDB];
	s0 =	simm.s32 @p2 $0x1  }
0x17: {  	s4 =	simm.s32 $0x1BF5;
	[smem:$0x3FBB] =	sst s0  }
0x18: {  	s0 =	sld [smem:$0x3F9E];
	_ =	swait.ge [sflag:s4], $0x0  }
0x19: {  	s7 =	sld [smem:$0x3F9F]  }
0x1a: {  	s8 =	sadd.s32 $0xFFFFE003, lr  }
0x1b: {  	s9 =	sadd.s32 $0xFFFFFEF7, lr;
	s5 =	simm.s32 $0xFFFFFFFF;
	p2 =	slt.u32 s8, $0xFFFFF086  }
0x1c: {  	p1 =	slt.u32 s9, $0xF7A;
	s5 =	simm.s32 @!p2 $0x0  }
0x1d: {  	s5 =	simm.s32 @p1 $0x1;
	p0 =	seq.s32 s7, s2  }
0x1e: {  	s7 =	smul.u32 @!p0 $0xF7A, s2;
	p2 =	seq.s32 @!p0 s5, $0x0  }
0x1f: {  	s9 =	smul.u32 $0xF7A, s1;
	s8 =	simm.s32 @!p0 $0x1BF5;
	p2 =	por !p2, p0  }
0x20: {  	[sflag:s8] =	ssyncset.s32 @!p0 $0xFFFFF086;
	s6 =	sadd.s32 @!p0 s3, s7;
	s7 =	simm.s32 @!p0 $0x108  }
0x21: {  	s3 =	sadd.s32 s3, s9;
	s6 =	sadd.s32 @!p0 $0x88, s6;
	s7 =	simm.s32 @p2 $0x1082  }
0x22: {  	[simem:s7], [sflag:s8] =	dma.local @!p0 [hbm:s6], $0xF7A  }
0x23: {  	s9 =	sor.u32 $0xD0000000, s2;
	s6 =	simm.s32 $0x108;
	_ =	swait.ge @!p0 [sflag:s8], $0x0  }
0x24: {  	s3 =	sadd.s32 $0x88, s3;
	s6 =	simm.s32 @!p1 $0x1082;
	[sflag:s4] =	ssyncset.s32 $0xFFFFF086  }
0x25: {  	[simem:s6], [sflag:s4] =	dma.local [hbm:s3], $0xF7A  }
0x26: {  	[smem:$0x3F9F] =	sst s1;
	(tag) =	ssettag s2;
	_ =	strace s9  }
0x27: {  	s1 =	sld [smem:$0x3FAF]  }
0x28: {  	s2 =	sld [smem:$0x3FB0]  }
0x29: {  	s4 =	sld [smem:$0x3FB2]  }
0x2a: {  	p0 =	seq.s32 s5, $0x0;
	s5 =	sld [smem:$0x3FB3]  }
0x2b: {  	s6 =	sld [smem:$0x3FB4]  }
0x2c: {  	s7 =	sld [smem:$0x3FB5]  }
0x2d: {  	s3 =	simm.s32 $0x108;
	s8 =	sld [smem:$0x3FB6]  }
0x2e: {  	s3 =	simm.s32 @!p0 $0x1082;
	s9 =	sld [smem:$0x3FB7]  }
0x2f: {  	lr =	sadd.s32 s0, s3;
	s0 =	sld [smem:$0x3FAE]  }
0x30: {  	s3 =	sld [smem:$0x3FB1]  }
0x31: {  	[smem:$0x3FBA] =	sst s10  }
0x32: {  	s10 =	sld [smem:$0x3FB8];
	_ =	sdelay $0x3  }
0x33: {  	p0 =	seq.s32 s10, $0x1;
	s10 =	sld [smem:$0x3FBA];
	_ =	sdelay $0x3  }
0x34: {  	[smem:$0x3FBA] =	sst s10  }
0x35: {  	s10 =	sld [smem:$0x3FB9];
	_ =	sdelay $0x3  }
0x36: {  	p1 =	seq.s32 s10, $0x1;
	s10 =	sld [smem:$0x3FBA];
	_ =	sdelay $0x3  }
0x37: {  	[smem:$0x3FBA] =	sst s10  }
0x38: {  	s10 =	sld [smem:$0x3FBB]  }
0x39: {  	_ = 	snop;
	(pc) =	sbr.ind lr, $3  }
0x3a: {  	_ = 	snop  }
0x3b: {  	_ = 	snop  }
0x3c: {  	p2 =	seq.s32 s10, $0x1;
	s10 =	sld [smem:$0x3FBA]  }
0x3d: {  	_ =	shalt  }
0x3e: {  	_ =	shalt  }
0x3f: {  	_ =	shalt  }
0x40: {  	_ =	shalt  }
0x41: {  	_ =	shalt  }
0x42: {  	_ =	shalt  }
0x43: {  	_ =	shalt  }
0x44: {  	_ =	shalt  }
0x45: {  	_ =	shalt  }
0x46: {  	_ =	shalt  }
0x47: {  	_ =	shalt  }
0x48: {  	_ =	shalt  }
0x49: {  	_ =	shalt  }
0x4a: {  	_ =	shalt  }
0x4b: {  	_ =	shalt  }
0x4c: {  	_ =	shalt  }
0x4d: {  	_ =	shalt  }
0x4e: {  	_ =	shalt  }
0x4f: {  	_ =	shalt  }
0x50: {  	_ =	shalt  }
0x51: {  	_ =	shalt  }
0x52: {  	_ =	shalt  }
0x53: {  	_ =	shalt  }
0x54: {  	_ =	shalt  }
0x55: {  	_ =	shalt  }
0x56: {  	_ =	shalt  }
0x57: {  	_ =	shalt  }
0x58: {  	_ =	shalt  }
0x59: {  	_ =	shalt  }
0x5a: {  	_ =	shalt  }
0x5b: {  	_ =	shalt  }
0x5c: {  	_ =	shalt  }
0x5d: {  	_ =	shalt  }
0x5e: {  	_ =	shalt  }
0x5f: {  	_ =	shalt  }
0x60: {  	_ =	shalt  }
0x61: {  	_ =	shalt  }
0x62: {  	_ =	shalt  }
0x63: {  	_ =	shalt  }
0x64: {  	_ =	shalt  }
0x65: {  	_ =	shalt  }
0x66: {  	_ =	shalt  }
0x67: {  	_ =	shalt  }
0x68: {  	_ =	shalt  }
0x69: {  	_ =	shalt  }
0x6a: {  	_ =	shalt  }
0x6b: {  	_ =	shalt  }
0x6c: {  	_ =	shalt  }
0x6d: {  	_ =	shalt  }
0x6e: {  	_ =	shalt  }
0x6f: {  	_ =	shalt  }
0x70: {  	_ =	shalt  }
0x71: {  	_ =	shalt  }
0x72: {  	_ =	shalt  }
0x73: {  	_ =	shalt  }
0x74: {  	_ =	shalt  }
0x75: {  	_ =	shalt  }
0x76: {  	_ =	shalt  }
0x77: {  	_ =	shalt  }
0x78: {  	_ =	shalt  }
0x79: {  	_ =	shalt  }
0x7a: {  	_ =	shalt  }
0x7b: {  	_ =	shalt  }
0x7c: {  	_ =	shalt  }
0x7d: {  	_ =	shalt  }
0x7e: {  	_ =	shalt  }
0x7f: {  	_ =	shalt  }
0x80: {  	_ =	shalt  }
0x81: {  	_ =	shalt  }
0x82: {  	_ =	shalt  }
0x83: {  	_ =	shalt  }
0x84: {  	_ =	shalt  }
0x85: {  	_ =	shalt  }
0x86: {  	_ =	shalt  }
0x87: {  	_ =	shalt  }
.Lfunc_end0:
.L_simem_size_0:
called_computation_lowered:
.L_overlay_start_0:
0x88: {  	s2 =	sld [smem:$0x3FD9]  }
0x89: {  	s3 =	sld [smem:$0x3FFE];
	_ =	sdelay $0x1  }
0x8a: {  	s1 =	srdreg.scid  }
0x8b: {  	s0 =	sand.u32 $0x1, s1  }
0x8c: {  	s18 =	sshll.u32 s0, $0xA;
	s2 =	sadd.s32 s3, s2  }
0x8d: {  	s2 =	sadd.s32 s2, s18  }
0x8e: {  	[smem:$0x3FC6] =	sst s2  }
0x8f: {  	_ = 	snop  }
0x90: {  	s2 =	sld [smem:$0x3FC9]  }
0x91: {  	s19 =	sld [smem:$0x3FC8]  }
0x92: {  	s4 =	sld [smem:$0x3FD0];
	(tm) =	ssettm $0x1  }
0x93: {  	s5 =	sld [smem:$0x3FFB];
	_ =	sdelay $0x3  }
0x94: {  	_ =	strace s5  }
0x95: {  	s5 =	sld [smem:$0x3FFC];
	_ =	sdelay $0x3  }
0x96: {  	_ =	strace s5  }
0x97: {  	s5 =	sld [smem:$0x3FFD];
	_ =	sdelay $0x3  }
0x98: {  	_ =	strace s5  }
0x99: {  	_ =	strace $0x8FFFFFFF  }
0x9a: {  	s20 =	sld [smem:$0x3FDB];
	_ =	sdelay $0x1  }
0x9b: {  	s6 =	simm.s32 $_scs_section_size  }
0x9c: {  	s7 =	simm.s32 $_size__tile_overlayer_lowered;
	s8 =	simm.s32 $_tile_overlayer_lowered  }
0x9d: {  	s23 =	simm.s32 $0x1BFF;
	s22 =	sshll.u32 s8, $0x1;
	s5 =	sadd.s32 s6, s20  }
0x9e: {  	s9 =	simm.s32 $0x0;
	s21 =	sshll.u32 s7, $0x1;
	s7 =	sadd.s32 s22, s5  }
0x9f: {  	[timem:s9], [sflag:s23] =	dma.local [hbm:s7], s21  }
0xa0: {  	_ =	swait.ge [sflag:s23], s21  }
0xa1: {  	s6 =	ssub.s32 $0x0, s21;
	[sflag:s23] =	ssyncset.done $0x0  }
0xa2: {  	[sflag:s23] =	ssyncadd.s32 s6;
	_ =	sdelay $0x1  }
0xa3: {  	s24 =	simm.s32 $0x1B8B  }
0xa4: {  	_ =	swait.ge [sflag:s24], $0x1  }
0xa5: {  	[sflag:s24] =	ssyncset.done $0x0  }
0xa6: {  	s25 =	simm.s32 $0x1B8E;
	[sflag:s24] =	ssyncadd.s32 $0xFFFFFFFF  }
0xa7: {  	s26 =	simm.s32 $execute0_lowered;
	[smem:$0x3FD2] =	sst s25  }
0xa8: {  	s6 =	sshll.u32 s26, $0x1;
	_ =	strace $0x80000046;
	[dreg:$0x1] =	wrdreg $0xFFFFFFFF  }
0xa9: {  	s28 =	simm.s32 $_size_execute0_lowered;
	s5 =	sadd.s32 s5, s6;
	[dreg:$0x0] =	wrdreg $0x0  }
0xaa: {  	s6 =	sshll.u32 s28, $0x1;
	[dreg:$0x2] =	wrdreg s5  }
0xab: {  	[dreg:$0x3] =	wrdreg s6  }
0xac: {  	[dreg:$0x4] =	wrdreg $0xC0  }
0xad: {  	_ =	task [dreg:s9], $0x5FFFF  }
0xae: {  	[dreg:$0x1] =	wrdreg $0xFFFFFFFF  }
0xaf: {  	[dreg:$0x0] =	wrdreg $0x60  }
0xb0: {  	[dreg:$0x2] =	wrdreg s2  }
0xb1: {  	[dreg:$0x3] =	wrdreg s19  }
0xb2: {  	[dreg:$0x4] =	wrdreg s4  }
0xb3: {  	[dreg:$0x5] =	wrdreg $0x9  }
0xb4: {  	_ =	task.clear_ibuf [dreg:s9], $0x6FFFF;
	_ =	strace $0x90000046  }
0xb5: {  	s29 =	simm.s32 $0x9;
	_ =	strace $0x80000048  }
0xb6: {  	_ =	swait.ge [sflag:s29], $0x1  }
0xb7: {  	[sflag:s29] =	ssyncadd.s32 $0xFFFFFFFF  }
0xb8: {  	_ =	strace $0x90000048  }
0xb9: {  	_ =	sfence  }
0xba: {  	s30 =	sld [smem:$0x0];
	_ =	sdelay $0x2  }
0xbb: {  	s31 =	sshll.u32 s1, $0xD;
	s1 =	sshrl.u32 s1, $0x2  }
0xbc: {  	s3 =	sand.u32 $0x4000, s31;
	s1 =	sadd.s32 s1, s30  }
0xbd: {  	s0 =	sor.u32 s3, s0;
	s1 =	sshll.u32 s1, $0x11  }
0xbe: {  	s0 =	sor.u32 s1, s0  }
0xbf: {  	s0 =	sadd.s32 $0x8F2B, s0  }
0xc0: {  	[sflag:s0] =	ssyncadd.remote.s32 $0x1  }
0xc1: {  	_ =	sfence.sel $0xFFFF  }
0xc2: {  	[dreg:$0x0] =	wrdreg $0xFFFFFFFF;
	(pc) =	sbr.abs _section_cstart, $3  }
0xc3: {  	[dreg:$0x1] =	wrdreg $0xFFFFFFFF  }
0xc4: {  	_ =	task.clear_ibuf [dreg:s9], $0x2FFFF;
	_ =	strace $0x9FFFFFFF  }
0xc5: {  	(tm) =	ssettm $0x7FFFFFFF  }
tec
execute0_lowered:
.L_overlay_start_1:
0x0: {  	(tag) =	ssettag $0x1  }
0x1: {  	s0 =	srdreg.scid  }
0x2: {  	s3 =	stileid.u32;
	s0 =	sand.u32 $0x1, s0  }
0x3: {  	s1 =	rddreg [dreg:$0x0];
	s4 =	sshll.u32 s3, $0x8;
	s2 =	sshll.u32 s0, $0xC  }
0x4: {  	s5 =	rddreg [dreg:$0x2];
	s4 =	sor.u32 s4, s2  }
0x5: {  	s6 =	simm.s32 $0x0;
	s0 =	ssub.s32 $0x2, s0;
	s2 =	sshrl.u32 s4, $0x3  }
0x6: {  	s3 =	rddreg [dreg:$0x1];
	s8 =	sshrl.u32 s0, $0x1;
	s7 =	smul.u32 $0x1800, s2  }
0x7: {  	[smem:$0x7FF] =	sst s6;
	s0 =	ssub.s32 s0, s8;
	s2 =	smul.u32 $0x300, s2  }
0x8: {  	_ =	strace $0x80000047;
	s0 =	smax.u32 s0, $0x1;
	s7 =	sshrl.u32 s7, $0x3  }
0x9: {  	[dreg:$0xb] =	wrdreg s0;
	s2 =	sadd.s32 s2, s1;
	s9 =	sadd.s32 s1, s7  }
0xa: {  	s2 =	sadd.s32 $0x600, s2;
	[dreg:$0x5] =	wrdreg s9  }
0xb: {  	s31 =	sadd.s32 s3, s7;
	[dreg:$0x9] =	wrdreg s2  }
0xc: {  	s28 =	sadd.s32 $0xC0000, s9;
	[dreg:$0xa] =	wrdreg s31  }
0xd: {  	s29 =	sadd.s32 $0x180000, s9;
	[dreg:$0x6] =	wrdreg s28  }
0xe: {  	s30 =	sadd.s32 $0x240000, s9;
	[dreg:$0x7] =	wrdreg s29  }
0xf: {  	s19 =	simm.s32 $0xA;
	s20 =	simm.s32 $0x0;
	[dreg:$0x8] =	wrdreg s30  }
.LBB2_1:
0x10: {  	s0 =	rddreg [dreg:$0x5];
	s2 =	simm.s32 $0x6000  }
0x11: {  	[tilespmem:s2], [sflag:$0x1] =	stream.linear.gather [hbm4b:s0+s6], $0x3000, $0x38;
	[tilespmem:$0x18000] =	vst v63  }
0x12: {  	s22 =	rddreg [dreg:$0x6];
	s23 =	simm.s32 $0x9000  }
0x13: {  	[tilespmem:s23], [sflag:$0x2] =	stream.linear.gather [hbm4b:s22+s6], $0x3000, $0x38;
	[tilespmem:$0x18000] =	vst v63  }
0x14: {  	s24 =	rddreg [dreg:$0x7];
	s25 =	simm.s32 $0xC000  }
0x15: {  	[tilespmem:s25], [sflag:$0x3] =	stream.linear.gather [hbm4b:s24+s6], $0x3000, $0x38;
	[tilespmem:$0x18000] =	vst v63  }
0x16: {  	s26 =	rddreg [dreg:$0x8];
	s28 =	simm.s32 $0xF000  }
0x17: {  	[tilespmem:s28], [sflag:$0x4] =	stream.linear.gather [hbm4b:s26+s6], $0x3000, $0x38;
	[tilespmem:$0x18000] =	vst v63  }
0x18: {  	s29 =	rddreg [dreg:$0x9];
	s30 =	simm.s32 $0x12000  }
0x19: {  	[tilespmem:s30], [sflag:$0x5] =	stream.linear.gather [hbm4b:s29+s6], $0x3000, $0x38;
	[tilespmem:$0x18000] =	vst v63  }
0x1a: {  	s31 =	rddreg [dreg:$0xa];
	s21 =	simm.s32 $0x0  }
0x1b: {  	[tilespmem:s6], [sflag:$0xD] =	stream.linear.gather [hbm4b:s31+s6], $0x3000, $0x38;
	[tilespmem:$0x18000] =	vst v63  }
.LBB2_2:
0x1c: {  	s22 =	sand.u32 $0x3, s21  }
0x1d: {  	s0 =	smul.u32 $0xAB, s21;
	p0 =	sne.s32 s22, $0x0  }
0x1e: {  	p1 =	sgt.u32 @p0 s21, $0x3B  }
0x1f: {  	s0 =	sshrl.u32 s0, $0xA;
	p2 =	por p1, !p0  }
0x20: {  	s0 =	sand.u32 $0x3F, s0;
	p2 =	sne.s32 @!p2 s22, $0x1  }
0x21: {  	s0 =	smul.u32 $0x6, s0;
	p1 =	por @p0 p2, p1  }
0x22: {  	s2 =	sshrl.u32 s21, $0x2;
	p1 =	por p1, !p0  }
0x23: {  	s0 =	ssub.s32 s21, s0;
	s7 =	sadd.s32 @!p1 $0x1, s2  }
0x24: {  	s18 =	simm.s32 $0x0;
	s23 =	sand.u32 $0xFF, s0;
	s0 =	sshll.u32 @!p1 s7, $0x4  }
0x25: {  	s8 =	sadd.s32 $0x1, s23;
	s7 =	sand.u32 @!p1 $0x1, s7;
	s0 =	sadd.s32 @!p1 s4, s0  }
0x26: {  	_ =	swait.ge [sflag:s8], $0x3000;
	s9 =	smul.u32 @!p1 $0xC000, s7;
	s0 =	sshrl.u32 @!p1 s0, $0x3  }
0x27: {  	s10 =	sand.u32 $0x1, s2;
	[sflag:s8] =	ssyncset.done $0x0;
	s0 =	smul.u32 @!p1 $0x300, s0  }
0x28: {  	s17 =	smul.u32 $0xC000, s10;
	s7 =	sadd.s32 @!p1 $0xD, s7;
	[sflag:s8] =	ssyncadd.s32 $0xFFFFD000  }
0x29: {  	s8 =	sshrl.u32 @!p1 s9, $0x2;
	s9 =	simm.s32 @!p1 $0x0;
	s0 =	sadd.s32 @!p1 s3, s0  }
0x2a: {  	[tilespmem:s8], [sflag:s7] =	stream.linear.gather @!p1 [hbm4b:s0+s9], $0x3000, $0x38;
	[tilespmem:$0x18000] =	vst v63  }
0x2b: {  	s25 =	simm.s32 $0x0;
	s7 =	sadd.s32 @!p0 $0xD, s10;
	s0 =	sshrl.u32 s17, $0x2  }
0x2c: {  	s26 =	smul.u32 $0x1800, s18;
	_ =	swait.ge @!p0 [sflag:s7], $0x3000;
	[dreg:$0x4] =	wrdreg s0  }
0x2d: {  	s0 =	sand.u32 $0x300, s25;
	s24 =	rddreg [dreg:$0x4]  }
0x2e: {  	[sflag:s7] =	ssyncset.done @!p0 $0x0;
	s14 =	sor.u32 $0x80, s0;
	s15 =	sadd.s32 s24, s26  }
0x2f: {  	[sflag:s7] =	ssyncadd.s32 @!p0 $0xFFFFD000;
	s11 =	sor.u32 s14, s15  }
0x30: {  	s24 =	smul.u32 $0x3000, s23;
	s8 =	sor.u32 s0, s15;
	v0 =	vld [tilespmem:s11+$0x0]  }
0x31: {  	v1 =	vld [tilespmem:s8+$0x0]  }
0x32: {  	s16 =	sadd.s32 s24, s26  }
0x33: {  	s12 =	sadd.s32 $0x6000, s16  }
0x34: {  	s13 =	sadd.s32 s14, s12  }
0x35: {  	s9 =	sadd.s32 s0, s12;
	[tilespmem:s13+$0x0] =	vst.add.f32.msk $0xffff, v0  }
0x36: {  	[tilespmem:s9+$0x0] =	vst.add.f32.msk $0xffff, v1  }
0x37: {  	v0 =	vld [tilespmem:s11+$0x10]  }
0x38: {  	v1 =	vld [tilespmem:s8+$0x10];
	_ =	sdelay $0x3  }
0x39: {  	[tilespmem:s13+$0x10] =	vst.add.f32.msk $0xffff, v0  }
0x3a: {  	[tilespmem:s9+$0x10] =	vst.add.f32.msk $0xffff, v1  }
0x3b: {  	v0 =	vld [tilespmem:s11+$0x20]  }
0x3c: {  	v1 =	vld [tilespmem:s8+$0x20];
	_ =	sdelay $0x3  }
0x3d: {  	[tilespmem:s13+$0x20] =	vst.add.f32.msk $0xffff, v0  }
0x3e: {  	[tilespmem:s9+$0x20] =	vst.add.f32.msk $0xffff, v1  }
0x3f: {  	v0 =	vld [tilespmem:s11+$0x30]  }
0x40: {  	v1 =	vld [tilespmem:s8+$0x30];
	_ =	sdelay $0x3  }
0x41: {  	[tilespmem:s13+$0x30] =	vst.add.f32.msk $0xffff, v0  }
0x42: {  	[tilespmem:s9+$0x30] =	vst.add.f32.msk $0xffff, v1  }
0x43: {  	v0 =	vld [tilespmem:s11+$0x40]  }
0x44: {  	v1 =	vld [tilespmem:s8+$0x40];
	_ =	sdelay $0x3  }
0x45: {  	[tilespmem:s13+$0x40] =	vst.add.f32.msk $0xffff, v0  }
0x46: {  	[tilespmem:s9+$0x40] =	vst.add.f32.msk $0xffff, v1  }
0x47: {  	v0 =	vld [tilespmem:s11+$0x50]  }
0x48: {  	v1 =	vld [tilespmem:s8+$0x50];
	_ =	sdelay $0x3  }
0x49: {  	[tilespmem:s13+$0x50] =	vst.add.f32.msk $0xffff, v0  }
0x4a: {  	[tilespmem:s9+$0x50] =	vst.add.f32.msk $0xffff, v1  }
0x4b: {  	v0 =	vld [tilespmem:s11+$0x60]  }
0x4c: {  	v1 =	vld [tilespmem:s8+$0x60];
	_ =	sdelay $0x3  }
0x4d: {  	[tilespmem:s13+$0x60] =	vst.add.f32.msk $0xffff, v0  }
0x4e: {  	[tilespmem:s9+$0x60] =	vst.add.f32.msk $0xffff, v1  }
0x4f: {  	v0 =	vld [tilespmem:s11+$0x70]  }
0x50: {  	v1 =	vld [tilespmem:s8+$0x70];
	_ =	sdelay $0x3  }
0x51: {  	[tilespmem:s13+$0x70] =	vst.add.f32.msk $0xffff, v0  }
0x52: {  	[tilespmem:s9+$0x70] =	vst.add.f32.msk $0xffff, v1  }
0x53: {  	v0 =	vld [tilespmem:s11+$0x400]  }
0x54: {  	v1 =	vld [tilespmem:s8+$0x400];
	_ =	sdelay $0x3  }
0x55: {  	[tilespmem:s13+$0x400] =	vst.add.f32.msk $0xffff, v0  }
0x56: {  	[tilespmem:s9+$0x400] =	vst.add.f32.msk $0xffff, v1  }
0x57: {  	v0 =	vld [tilespmem:s11+$0x410]  }
0x58: {  	v1 =	vld [tilespmem:s8+$0x410];
	_ =	sdelay $0x3  }
0x59: {  	[tilespmem:s13+$0x410] =	vst.add.f32.msk $0xffff, v0  }
0x5a: {  	[tilespmem:s9+$0x410] =	vst.add.f32.msk $0xffff, v1  }
0x5b: {  	v0 =	vld [tilespmem:s11+$0x420]  }
0x5c: {  	v1 =	vld [tilespmem:s8+$0x420];
	_ =	sdelay $0x3  }
0x5d: {  	[tilespmem:s13+$0x420] =	vst.add.f32.msk $0xffff, v0  }
0x5e: {  	[tilespmem:s9+$0x420] =	vst.add.f32.msk $0xffff, v1  }
0x5f: {  	v0 =	vld [tilespmem:s11+$0x430]  }
0x60: {  	v1 =	vld [tilespmem:s8+$0x430];
	_ =	sdelay $0x3  }
0x61: {  	[tilespmem:s13+$0x430] =	vst.add.f32.msk $0xffff, v0  }
0x62: {  	[tilespmem:s9+$0x430] =	vst.add.f32.msk $0xffff, v1  }
0x63: {  	v0 =	vld [tilespmem:s11+$0x440]  }
0x64: {  	v1 =	vld [tilespmem:s8+$0x440];
	_ =	sdelay $0x3  }
0x65: {  	[tilespmem:s13+$0x440] =	vst.add.f32.msk $0xffff, v0  }
0x66: {  	[tilespmem:s9+$0x440] =	vst.add.f32.msk $0xffff, v1  }
0x67: {  	v0 =	vld [tilespmem:s11+$0x450]  }
0x68: {  	v1 =	vld [tilespmem:s8+$0x450];
	_ =	sdelay $0x3  }
0x69: {  	[tilespmem:s13+$0x450] =	vst.add.f32.msk $0xffff, v0  }
0x6a: {  	[tilespmem:s9+$0x450] =	vst.add.f32.msk $0xffff, v1  }
0x6b: {  	v0 =	vld [tilespmem:s11+$0x460]  }
0x6c: {  	v1 =	vld [tilespmem:s8+$0x460];
	_ =	sdelay $0x3  }
0x6d: {  	[tilespmem:s13+$0x460] =	vst.add.f32.msk $0xffff, v0  }
0x6e: {  	[tilespmem:s9+$0x460] =	vst.add.f32.msk $0xffff, v1  }
0x6f: {  	v0 =	vld [tilespmem:s11+$0x470]  }
0x70: {  	v1 =	vld [tilespmem:s8+$0x470];
	_ =	sdelay $0x3  }
0x71: {  	s17 =	sadd.s32 $0x800, s15;
	[tilespmem:s13+$0x470] =	vst.add.f32.msk $0xffff, v0  }
0x72: {  	s18 =	sor.u32 s14, s17;
	[tilespmem:s9+$0x470] =	vst.add.f32.msk $0xffff, v1  }
0x73: {  	s7 =	sor.u32 s0, s17;
	v0 =	vld [tilespmem:s18+$0x0]  }
0x74: {  	v1 =	vld [tilespmem:s7+$0x0];
	_ =	sdelay $0x1  }
0x75: {  	s25 =	sadd.s32 $0x6800, s16  }
0x76: {  	s26 =	sadd.s32 s14, s25  }
0x77: {  	s9 =	sadd.s32 s0, s25;
	[tilespmem:s26+$0x0] =	vst.add.f32.msk $0xffff, v0  }
0x78: {  	[tilespmem:s9+$0x0] =	vst.add.f32.msk $0xffff, v1  }
0x79: {  	v0 =	vld [tilespmem:s18+$0x10]  }
0x7a: {  	v1 =	vld [tilespmem:s7+$0x10];
	_ =	sdelay $0x3  }
0x7b: {  	[tilespmem:s26+$0x10] =	vst.add.f32.msk $0xffff, v0  }
0x7c: {  	[tilespmem:s9+$0x10] =	vst.add.f32.msk $0xffff, v1  }
0x7d: {  	v0 =	vld [tilespmem:s18+$0x20]  }
0x7e: {  	v1 =	vld [tilespmem:s7+$0x20];
	_ =	sdelay $0x3  }
0x7f: {  	[tilespmem:s26+$0x20] =	vst.add.f32.msk $0xffff, v0  }
0x80: {  	[tilespmem:s9+$0x20] =	vst.add.f32.msk $0xffff, v1  }
0x81: {  	v0 =	vld [tilespmem:s18+$0x30]  }
0x82: {  	v1 =	vld [tilespmem:s7+$0x30];
	_ =	sdelay $0x3  }
0x83: {  	[tilespmem:s26+$0x30] =	vst.add.f32.msk $0xffff, v0  }
0x84: {  	[tilespmem:s9+$0x30] =	vst.add.f32.msk $0xffff, v1  }
0x85: {  	v0 =	vld [tilespmem:s18+$0x40]  }
0x86: {  	v1 =	vld [tilespmem:s7+$0x40];
	_ =	sdelay $0x3  }
0x87: {  	[tilespmem:s26+$0x40] =	vst.add.f32.msk $0xffff, v0  }
0x88: {  	[tilespmem:s9+$0x40] =	vst.add.f32.msk $0xffff, v1  }
0x89: {  	v0 =	vld [tilespmem:s18+$0x50]  }
0x8a: {  	v1 =	vld [tilespmem:s7+$0x50];
	_ =	sdelay $0x3  }
0x8b: {  	[tilespmem:s26+$0x50] =	vst.add.f32.msk $0xffff, v0  }
0x8c: {  	[tilespmem:s9+$0x50] =	vst.add.f32.msk $0xffff, v1  }
0x8d: {  	v0 =	vld [tilespmem:s18+$0x60]  }
0x8e: {  	v1 =	vld [tilespmem:s7+$0x60];
	_ =	sdelay $0x3  }
0x8f: {  	[tilespmem:s26+$0x60] =	vst.add.f32.msk $0xffff, v0  }
0x90: {  	[tilespmem:s9+$0x60] =	vst.add.f32.msk $0xffff, v1  }
0x91: {  	v0 =	vld [tilespmem:s18+$0x70]  }
0x92: {  	v1 =	vld [tilespmem:s7+$0x70];
	_ =	sdelay $0x3  }
0x93: {  	s8 =	sadd.s32 $0xC00, s15;
	[tilespmem:s26+$0x70] =	vst.add.f32.msk $0xffff, v0  }
0x94: {  	s10 =	sor.u32 s14, s8;
	[tilespmem:s9+$0x70] =	vst.add.f32.msk $0xffff, v1  }
0x95: {  	s7 =	sor.u32 s0, s8;
	v0 =	vld [tilespmem:s10+$0x0]  }
0x96: {  	v1 =	vld [tilespmem:s7+$0x0];
	_ =	sdelay $0x1  }
0x97: {  	s12 =	sadd.s32 $0x6C00, s16  }
0x98: {  	s13 =	sadd.s32 s14, s12  }
0x99: {  	s9 =	sadd.s32 s0, s12;
	[tilespmem:s13+$0x0] =	vst.add.f32.msk $0xffff, v0  }
0x9a: {  	[tilespmem:s9+$0x0] =	vst.add.f32.msk $0xffff, v1  }
0x9b: {  	v0 =	vld [tilespmem:s10+$0x10]  }
0x9c: {  	v1 =	vld [tilespmem:s7+$0x10];
	_ =	sdelay $0x3  }
0x9d: {  	[tilespmem:s13+$0x10] =	vst.add.f32.msk $0xffff, v0  }
0x9e: {  	[tilespmem:s9+$0x10] =	vst.add.f32.msk $0xffff, v1  }
0x9f: {  	v0 =	vld [tilespmem:s10+$0x20]  }
0xa0: {  	v1 =	vld [tilespmem:s7+$0x20];
	_ =	sdelay $0x3  }
0xa1: {  	[tilespmem:s13+$0x20] =	vst.add.f32.msk $0xffff, v0  }
0xa2: {  	[tilespmem:s9+$0x20] =	vst.add.f32.msk $0xffff, v1  }
0xa3: {  	v0 =	vld [tilespmem:s10+$0x30]  }
0xa4: {  	v1 =	vld [tilespmem:s7+$0x30];
	_ =	sdelay $0x3  }
0xa5: {  	[tilespmem:s13+$0x30] =	vst.add.f32.msk $0xffff, v0  }
0xa6: {  	[tilespmem:s9+$0x30] =	vst.add.f32.msk $0xffff, v1  }
0xa7: {  	v0 =	vld [tilespmem:s10+$0x40]  }
0xa8: {  	v1 =	vld [tilespmem:s7+$0x40];
	_ =	sdelay $0x3  }
0xa9: {  	[tilespmem:s13+$0x40] =	vst.add.f32.msk $0xffff, v0  }
0xaa: {  	[tilespmem:s9+$0x40] =	vst.add.f32.msk $0xffff, v1  }
0xab: {  	v0 =	vld [tilespmem:s10+$0x50]  }
0xac: {  	v1 =	vld [tilespmem:s7+$0x50];
	_ =	sdelay $0x3  }
0xad: {  	s11 =	simm.s32 $0x0;
	[tilespmem:s13+$0x50] =	vst.add.f32.msk $0xffff, v0  }
0xae: {  	s30 =	simm.s32 $0x100;
	s11 =	smul.u32 $0x1800, s11;
	[tilespmem:s9+$0x50] =	vst.add.f32.msk $0xffff, v1  }
0xaf: {  	s25 =	sand.u32 $0x300, s30;
	s12 =	rddreg [dreg:$0x4];
	v0 =	vld [tilespmem:s10+$0x60]  }
0xb0: {  	s26 =	sor.u32 $0x80, s25;
	s28 =	sadd.s32 s12, s11;
	v1 =	vld [tilespmem:s7+$0x60]  }
0xb1: {  	s17 =	sor.u32 s26, s28  }
0xb2: {  	s12 =	sor.u32 s25, s28;
	v2 =	vld [tilespmem:s17+$0x0]  }
0xb3: {  	v3 =	vld [tilespmem:s12+$0x0]  }
0xb4: {  	[tilespmem:s13+$0x60] =	vst.add.f32.msk $0xffff, v0  }
0xb5: {  	s29 =	sadd.s32 s24, s11;
	[tilespmem:s9+$0x60] =	vst.add.f32.msk $0xffff, v1  }
0xb6: {  	v0 =	vld [tilespmem:s10+$0x70];
	s10 =	sadd.s32 $0x6000, s29  }
0xb7: {  	v1 =	vld [tilespmem:s7+$0x70];
	s18 =	sadd.s32 s26, s10  }
0xb8: {  	s31 =	sadd.s32 s25, s10;
	[tilespmem:s18+$0x0] =	vst.add.f32.msk $0xffff, v2  }
0xb9: {  	[tilespmem:s31+$0x0] =	vst.add.f32.msk $0xffff, v3  }
0xba: {  	s8 =	sadd.s32 $0x1000, s15;
	v2 =	vld [tilespmem:s12+$0x10]  }
0xbb: {  	s7 =	sor.u32 s14, s8;
	[tilespmem:s13+$0x70] =	vst.add.f32.msk $0xffff, v0  }
0xbc: {  	v0 =	vld [tilespmem:s7+$0x0]  }
0xbd: {  	[tilespmem:s9+$0x70] =	vst.add.f32.msk $0xffff, v1  }
0xbe: {  	v1 =	vld [tilespmem:s17+$0x10]  }
0xbf: {  	s11 =	sadd.s32 $0x7000, s16;
	[tilespmem:s31+$0x10] =	vst.add.f32.msk $0xffff, v2  }
0xc0: {  	s13 =	sadd.s32 s14, s11;
	v2 =	vld [tilespmem:s12+$0x20]  }
0xc1: {  	[tilespmem:s13+$0x0] =	vst.add.f32.msk $0xffff, v0  }
0xc2: {  	v0 =	vld [tilespmem:s7+$0x10]  }
0xc3: {  	[tilespmem:s18+$0x10] =	vst.add.f32.msk $0xffff, v1  }
0xc4: {  	v1 =	vld [tilespmem:s17+$0x20]  }
0xc5: {  	[tilespmem:s31+$0x20] =	vst.add.f32.msk $0xffff, v2  }
0xc6: {  	v2 =	vld [tilespmem:s12+$0x30]  }
0xc7: {  	[tilespmem:s13+$0x10] =	vst.add.f32.msk $0xffff, v0  }
0xc8: {  	v0 =	vld [tilespmem:s7+$0x20]  }
0xc9: {  	[tilespmem:s18+$0x20] =	vst.add.f32.msk $0xffff, v1  }
0xca: {  	v1 =	vld [tilespmem:s17+$0x30]  }
0xcb: {  	[tilespmem:s31+$0x30] =	vst.add.f32.msk $0xffff, v2  }
0xcc: {  	v2 =	vld [tilespmem:s12+$0x40]  }
0xcd: {  	[tilespmem:s13+$0x20] =	vst.add.f32.msk $0xffff, v0  }
0xce: {  	v0 =	vld [tilespmem:s7+$0x30]  }
0xcf: {  	[tilespmem:s18+$0x30] =	vst.add.f32.msk $0xffff, v1  }
0xd0: {  	v1 =	vld [tilespmem:s17+$0x40]  }
0xd1: {  	[tilespmem:s31+$0x40] =	vst.add.f32.msk $0xffff, v2  }
0xd2: {  	v2 =	vld [tilespmem:s12+$0x50]  }
0xd3: {  	[tilespmem:s13+$0x30] =	vst.add.f32.msk $0xffff, v0  }
0xd4: {  	v0 =	vld [tilespmem:s7+$0x40]  }
0xd5: {  	[tilespmem:s18+$0x40] =	vst.add.f32.msk $0xffff, v1  }
0xd6: {  	v1 =	vld [tilespmem:s17+$0x50]  }
0xd7: {  	[tilespmem:s31+$0x50] =	vst.add.f32.msk $0xffff, v2  }
0xd8: {  	v2 =	vld [tilespmem:s12+$0x60]  }
0xd9: {  	[tilespmem:s13+$0x40] =	vst.add.f32.msk $0xffff, v0  }
0xda: {  	v0 =	vld [tilespmem:s7+$0x50]  }
0xdb: {  	[tilespmem:s18+$0x50] =	vst.add.f32.msk $0xffff, v1  }
0xdc: {  	v1 =	vld [tilespmem:s17+$0x60]  }
0xdd: {  	[tilespmem:s31+$0x60] =	vst.add.f32.msk $0xffff, v2  }
0xde: {  	v2 =	vld [tilespmem:s12+$0x70]  }
0xdf: {  	[tilespmem:s13+$0x50] =	vst.add.f32.msk $0xffff, v0  }
0xe0: {  	v0 =	vld [tilespmem:s7+$0x60]  }
0xe1: {  	[tilespmem:s18+$0x60] =	vst.add.f32.msk $0xffff, v1  }
0xe2: {  	v1 =	vld [tilespmem:s17+$0x70]  }
0xe3: {  	[tilespmem:s31+$0x70] =	vst.add.f32.msk $0xffff, v2  }
0xe4: {  	v2 =	vld [tilespmem:s12+$0x400]  }
0xe5: {  	[tilespmem:s13+$0x60] =	vst.add.f32.msk $0xffff, v0  }
0xe6: {  	v0 =	vld [tilespmem:s7+$0x70]  }
0xe7: {  	[tilespmem:s18+$0x70] =	vst.add.f32.msk $0xffff, v1  }
0xe8: {  	v1 =	vld [tilespmem:s17+$0x400]  }
0xe9: {  	[tilespmem:s31+$0x400] =	vst.add.f32.msk $0xffff, v2  }
0xea: {  	s9 =	sadd.s32 $0x1400, s15;
	v2 =	vld [tilespmem:s12+$0x410]  }
0xeb: {  	s15 =	sor.u32 s14, s9;
	[tilespmem:s13+$0x70] =	vst.add.f32.msk $0xffff, v0  }
0xec: {  	v0 =	vld [tilespmem:s15+$0x0]  }
0xed: {  	[tilespmem:s18+$0x400] =	vst.add.f32.msk $0xffff, v1  }
0xee: {  	v1 =	vld [tilespmem:s17+$0x410]  }
0xef: {  	s10 =	sadd.s32 $0x7400, s16;
	[tilespmem:s31+$0x410] =	vst.add.f32.msk $0xffff, v2  }
0xf0: {  	s16 =	sadd.s32 s14, s10;
	v2 =	vld [tilespmem:s12+$0x420]  }
0xf1: {  	[tilespmem:s16+$0x0] =	vst.add.f32.msk $0xffff, v0  }
0xf2: {  	v0 =	vld [tilespmem:s15+$0x10]  }
0xf3: {  	[tilespmem:s18+$0x410] =	vst.add.f32.msk $0xffff, v1  }
0xf4: {  	v1 =	vld [tilespmem:s17+$0x420]  }
0xf5: {  	[tilespmem:s31+$0x420] =	vst.add.f32.msk $0xffff, v2  }
0xf6: {  	v2 =	vld [tilespmem:s12+$0x430]  }
0xf7: {  	[tilespmem:s16+$0x10] =	vst.add.f32.msk $0xffff, v0  }
0xf8: {  	v0 =	vld [tilespmem:s15+$0x20]  }
0xf9: {  	[tilespmem:s18+$0x420] =	vst.add.f32.msk $0xffff, v1  }
0xfa: {  	v1 =	vld [tilespmem:s17+$0x430]  }
0xfb: {  	[tilespmem:s31+$0x430] =	vst.add.f32.msk $0xffff, v2  }
0xfc: {  	v2 =	vld [tilespmem:s12+$0x440]  }
0xfd: {  	[tilespmem:s16+$0x20] =	vst.add.f32.msk $0xffff, v0  }
0xfe: {  	v0 =	vld [tilespmem:s15+$0x30]  }
0xff: {  	[tilespmem:s18+$0x430] =	vst.add.f32.msk $0xffff, v1  }
0x100: {  	v1 =	vld [tilespmem:s17+$0x440]  }
0x101: {  	[tilespmem:s31+$0x440] =	vst.add.f32.msk $0xffff, v2  }
0x102: {  	v2 =	vld [tilespmem:s12+$0x450]  }
0x103: {  	[tilespmem:s16+$0x30] =	vst.add.f32.msk $0xffff, v0  }
0x104: {  	v0 =	vld [tilespmem:s15+$0x40]  }
0x105: {  	[tilespmem:s18+$0x440] =	vst.add.f32.msk $0xffff, v1  }
0x106: {  	v1 =	vld [tilespmem:s17+$0x450]  }
0x107: {  	[tilespmem:s31+$0x450] =	vst.add.f32.msk $0xffff, v2  }
0x108: {  	v2 =	vld [tilespmem:s12+$0x460]  }
0x109: {  	[tilespmem:s16+$0x40] =	vst.add.f32.msk $0xffff, v0  }
0x10a: {  	v0 =	vld [tilespmem:s15+$0x50]  }
0x10b: {  	[tilespmem:s18+$0x450] =	vst.add.f32.msk $0xffff, v1  }
0x10c: {  	v1 =	vld [tilespmem:s17+$0x460]  }
0x10d: {  	[tilespmem:s31+$0x460] =	vst.add.f32.msk $0xffff, v2  }
0x10e: {  	v2 =	vld [tilespmem:s12+$0x470]  }
0x10f: {  	[tilespmem:s16+$0x50] =	vst.add.f32.msk $0xffff, v0  }
0x110: {  	v0 =	vld [tilespmem:s15+$0x60]  }
0x111: {  	[tilespmem:s18+$0x460] =	vst.add.f32.msk $0xffff, v1  }
0x112: {  	v1 =	vld [tilespmem:s17+$0x470];
	s17 =	sor.u32 s0, s8  }
0x113: {  	v3 =	vld [tilespmem:s17+$0x0]  }
0x114: {  	[tilespmem:s31+$0x470] =	vst.add.f32.msk $0xffff, v2  }
0x115: {  	[tilespmem:s16+$0x60] =	vst.add.f32.msk $0xffff, v0  }
0x116: {  	s12 =	sadd.s32 $0x800, s28;
	v0 =	vld [tilespmem:s15+$0x70]  }
0x117: {  	s8 =	sor.u32 s25, s12;
	[tilespmem:s18+$0x470] =	vst.add.f32.msk $0xffff, v1  }
0x118: {  	s11 =	sadd.s32 s0, s11;
	v1 =	vld [tilespmem:s8+$0x0]  }
0x119: {  	[tilespmem:s11+$0x0] =	vst.add.f32.msk $0xffff, v3  }
0x11a: {  	v2 =	vld [tilespmem:s17+$0x10]  }
0x11b: {  	s14 =	sor.u32 s26, s12;
	s15 =	sadd.s32 $0x6800, s29;
	[tilespmem:s16+$0x70] =	vst.add.f32.msk $0xffff, v0  }
0x11c: {  	s13 =	sadd.s32 s25, s15;
	v0 =	vld [tilespmem:s14+$0x0]  }
0x11d: {  	[tilespmem:s13+$0x0] =	vst.add.f32.msk $0xffff, v1  }
0x11e: {  	v1 =	vld [tilespmem:s8+$0x10]  }
0x11f: {  	[tilespmem:s11+$0x10] =	vst.add.f32.msk $0xffff, v2  }
0x120: {  	s16 =	sadd.s32 s26, s15;
	v2 =	vld [tilespmem:s17+$0x20]  }
0x121: {  	[tilespmem:s16+$0x0] =	vst.add.f32.msk $0xffff, v0  }
0x122: {  	v0 =	vld [tilespmem:s14+$0x10]  }
0x123: {  	[tilespmem:s13+$0x10] =	vst.add.f32.msk $0xffff, v1  }
0x124: {  	v1 =	vld [tilespmem:s8+$0x20]  }
0x125: {  	[tilespmem:s11+$0x20] =	vst.add.f32.msk $0xffff, v2  }
0x126: {  	v2 =	vld [tilespmem:s17+$0x30]  }
0x127: {  	[tilespmem:s16+$0x10] =	vst.add.f32.msk $0xffff, v0  }
0x128: {  	v0 =	vld [tilespmem:s14+$0x20]  }
0x129: {  	[tilespmem:s13+$0x20] =	vst.add.f32.msk $0xffff, v1  }
0x12a: {  	v1 =	vld [tilespmem:s8+$0x30]  }
0x12b: {  	[tilespmem:s11+$0x30] =	vst.add.f32.msk $0xffff, v2  }
0x12c: {  	v2 =	vld [tilespmem:s17+$0x40]  }
0x12d: {  	[tilespmem:s16+$0x20] =	vst.add.f32.msk $0xffff, v0  }
0x12e: {  	v0 =	vld [tilespmem:s14+$0x30]  }
0x12f: {  	[tilespmem:s13+$0x30] =	vst.add.f32.msk $0xffff, v1  }
0x130: {  	v1 =	vld [tilespmem:s8+$0x40]  }
0x131: {  	[tilespmem:s11+$0x40] =	vst.add.f32.msk $0xffff, v2  }
0x132: {  	v2 =	vld [tilespmem:s17+$0x50]  }
0x133: {  	[tilespmem:s16+$0x30] =	vst.add.f32.msk $0xffff, v0  }
0x134: {  	v0 =	vld [tilespmem:s14+$0x40]  }
0x135: {  	[tilespmem:s13+$0x40] =	vst.add.f32.msk $0xffff, v1  }
0x136: {  	v1 =	vld [tilespmem:s8+$0x50]  }
0x137: {  	[tilespmem:s11+$0x50] =	vst.add.f32.msk $0xffff, v2  }
0x138: {  	v2 =	vld [tilespmem:s17+$0x60]  }
0x139: {  	[tilespmem:s16+$0x40] =	vst.add.f32.msk $0xffff, v0  }
0x13a: {  	v0 =	vld [tilespmem:s14+$0x50]  }
0x13b: {  	[tilespmem:s13+$0x50] =	vst.add.f32.msk $0xffff, v1  }
0x13c: {  	v1 =	vld [tilespmem:s8+$0x60]  }
0x13d: {  	[tilespmem:s11+$0x60] =	vst.add.f32.msk $0xffff, v2  }
0x13e: {  	v2 =	vld [tilespmem:s17+$0x70]  }
0x13f: {  	[tilespmem:s16+$0x50] =	vst.add.f32.msk $0xffff, v0  }
0x140: {  	v0 =	vld [tilespmem:s14+$0x60]  }
0x141: {  	[tilespmem:s13+$0x60] =	vst.add.f32.msk $0xffff, v1  }
0x142: {  	v1 =	vld [tilespmem:s8+$0x70]  }
0x143: {  	s15 =	sor.u32 s0, s9;
	[tilespmem:s11+$0x70] =	vst.add.f32.msk $0xffff, v2  }
0x144: {  	v2 =	vld [tilespmem:s15+$0x0]  }
0x145: {  	[tilespmem:s16+$0x60] =	vst.add.f32.msk $0xffff, v0  }
0x146: {  	s17 =	sadd.s32 $0xC00, s28;
	v0 =	vld [tilespmem:s14+$0x70]  }
0x147: {  	s8 =	sor.u32 s25, s17;
	[tilespmem:s13+$0x70] =	vst.add.f32.msk $0xffff, v1  }
0x148: {  	s0 =	sadd.s32 s0, s10;
	v1 =	vld [tilespmem:s8+$0x0]  }
0x149: {  	[tilespmem:s0+$0x0] =	vst.add.f32.msk $0xffff, v2  }
0x14a: {  	v2 =	vld [tilespmem:s15+$0x10]  }
0x14b: {  	s18 =	sadd.s32 $0x6C00, s29;
	s9 =	sor.u32 s26, s17;
	[tilespmem:s16+$0x70] =	vst.add.f32.msk $0xffff, v0  }
0x14c: {  	s17 =	sadd.s32 s25, s18;
	v0 =	vld [tilespmem:s9+$0x0]  }
0x14d: {  	[tilespmem:s17+$0x0] =	vst.add.f32.msk $0xffff, v1  }
0x14e: {  	v1 =	vld [tilespmem:s8+$0x10]  }
0x14f: {  	[tilespmem:s0+$0x10] =	vst.add.f32.msk $0xffff, v2  }
0x150: {  	s10 =	sadd.s32 s26, s18;
	v2 =	vld [tilespmem:s15+$0x20]  }
0x151: {  	[tilespmem:s10+$0x0] =	vst.add.f32.msk $0xffff, v0  }
0x152: {  	v0 =	vld [tilespmem:s9+$0x10]  }
0x153: {  	[tilespmem:s17+$0x10] =	vst.add.f32.msk $0xffff, v1  }
0x154: {  	v1 =	vld [tilespmem:s8+$0x20]  }
0x155: {  	[tilespmem:s0+$0x20] =	vst.add.f32.msk $0xffff, v2  }
0x156: {  	v2 =	vld [tilespmem:s15+$0x30]  }
0x157: {  	[tilespmem:s10+$0x10] =	vst.add.f32.msk $0xffff, v0  }
0x158: {  	v0 =	vld [tilespmem:s9+$0x20]  }
0x159: {  	[tilespmem:s17+$0x20] =	vst.add.f32.msk $0xffff, v1  }
0x15a: {  	v1 =	vld [tilespmem:s8+$0x30]  }
0x15b: {  	[tilespmem:s0+$0x30] =	vst.add.f32.msk $0xffff, v2  }
0x15c: {  	v2 =	vld [tilespmem:s15+$0x40]  }
0x15d: {  	[tilespmem:s10+$0x20] =	vst.add.f32.msk $0xffff, v0  }
0x15e: {  	v0 =	vld [tilespmem:s9+$0x30]  }
0x15f: {  	[tilespmem:s17+$0x30] =	vst.add.f32.msk $0xffff, v1  }
0x160: {  	v1 =	vld [tilespmem:s8+$0x40]  }
0x161: {  	[tilespmem:s0+$0x40] =	vst.add.f32.msk $0xffff, v2  }
0x162: {  	v2 =	vld [tilespmem:s15+$0x50]  }
0x163: {  	[tilespmem:s10+$0x30] =	vst.add.f32.msk $0xffff, v0  }
0x164: {  	v0 =	vld [tilespmem:s9+$0x40]  }
0x165: {  	[tilespmem:s17+$0x40] =	vst.add.f32.msk $0xffff, v1  }
0x166: {  	v3 =	vld [tilespmem:s8+$0x50]  }
0x167: {  	[tilespmem:s0+$0x50] =	vst.add.f32.msk $0xffff, v2  }
0x168: {  	v2 =	vld [tilespmem:s15+$0x60]  }
0x169: {  	[tilespmem:s10+$0x40] =	vst.add.f32.msk $0xffff, v0  }
0x16a: {  	v0 =	vld [tilespmem:s9+$0x50];
	_ =	sdelay $0x2  }
0x16b: {  	[tilespmem:s17+$0x50] =	vst.add.f32.msk $0xffff, v3  }
0x16c: {  	[tilespmem:s0+$0x60] =	vst.add.f32.msk $0xffff, v2  }
0x16d: {  	[tilespmem:s10+$0x50] =	vst.add.f32.msk $0xffff, v0  }
0x16e: {  	s2 =	sshll.u32 s2, $0x4;
	v0 =	vld [tilespmem:s8+$0x60]  }
0x16f: {  	s2 =	sadd.s32 s4, s2;
	s31 =	sadd.s32 $0x6000, s24;
	s14 =	simm.s32 $0x2;
	v1 =	vld [tilespmem:s9+$0x60]  }
.LBB2_3:
0x170: {  	_ =	sdelay $0x2  }
0x171: {  	s14 =	sadd.s32 $0x2, s14;
	v2 =	vld [tilespmem:s15+$0x70]  }
0x172: {  	s7 =	sshrl.u32 s14, $0x3;
	[tilespmem:s10+$0x60] =	vst.add.f32.msk $0xffff, v1  }
0x173: {  	s30 =	sadd.s32 $0x100, s30;
	s7 =	smul.u32 $0x1800, s7;
	[tilespmem:s17+$0x60] =	vst.add.f32.msk $0xffff, v0  }
0x174: {  	s12 =	rddreg [dreg:$0x4];
	s11 =	sand.u32 $0x300, s30;
	v1 =	vld [tilespmem:s9+$0x70]  }
0x175: {  	s15 =	sadd.s32 s12, s7;
	s12 =	sor.u32 $0x80, s11;
	v0 =	vld [tilespmem:s8+$0x70]  }
0x176: {  	s9 =	sor.u32 s12, s15;
	[tilespmem:s0+$0x70] =	vst.add.f32.msk $0xffff, v2  }
0x177: {  	s18 =	sor.u32 s11, s15;
	v2 =	vld [tilespmem:s9+$0x0]  }
0x178: {  	v3 =	vld [tilespmem:s18+$0x0]  }
0x179: {  	s8 =	sadd.s32 $0x1000, s28;
	s0 =	sadd.s32 s24, s7;
	[tilespmem:s10+$0x70] =	vst.add.f32.msk $0xffff, v1  }
0x17a: {  	s13 =	sor.u32 s26, s8;
	s7 =	sadd.s32 $0x6000, s0;
	[tilespmem:s17+$0x70] =	vst.add.f32.msk $0xffff, v0  }
0x17b: {  	s10 =	sadd.s32 s12, s7;
	v1 =	vld [tilespmem:s13+$0x0]  }
0x17c: {  	s16 =	sor.u32 s25, s8;
	s8 =	sadd.s32 s11, s7;
	[tilespmem:s10+$0x0] =	vst.add.f32.msk $0xffff, v2  }
0x17d: {  	[tilespmem:s8+$0x0] =	vst.add.f32.msk $0xffff, v3  }
0x17e: {  	v0 =	vld [tilespmem:s9+$0x10]  }
0x17f: {  	s7 =	sadd.s32 $0x7000, s29;
	v2 =	vld [tilespmem:s18+$0x10]  }
0x180: {  	s17 =	sadd.s32 s25, s7;
	s7 =	sadd.s32 s26, s7  }
0x181: {  	[tilespmem:s7+$0x0] =	vst.add.f32.msk $0xffff, v1  }
0x182: {  	v1 =	vld [tilespmem:s13+$0x10]  }
0x183: {  	[tilespmem:s10+$0x10] =	vst.add.f32.msk $0xffff, v0  }
0x184: {  	[tilespmem:s8+$0x10] =	vst.add.f32.msk $0xffff, v2  }
0x185: {  	v0 =	vld [tilespmem:s9+$0x20]  }
0x186: {  	v2 =	vld [tilespmem:s18+$0x20];
	_ =	sdelay $0x1  }
0x187: {  	[tilespmem:s7+$0x10] =	vst.add.f32.msk $0xffff, v1  }
0x188: {  	v1 =	vld [tilespmem:s13+$0x20]  }
0x189: {  	[tilespmem:s10+$0x20] =	vst.add.f32.msk $0xffff, v0  }
0x18a: {  	[tilespmem:s8+$0x20] =	vst.add.f32.msk $0xffff, v2  }
0x18b: {  	v0 =	vld [tilespmem:s9+$0x30]  }
0x18c: {  	v2 =	vld [tilespmem:s18+$0x30];
	_ =	sdelay $0x1  }
0x18d: {  	[tilespmem:s7+$0x20] =	vst.add.f32.msk $0xffff, v1  }
0x18e: {  	v1 =	vld [tilespmem:s13+$0x30]  }
0x18f: {  	[tilespmem:s10+$0x30] =	vst.add.f32.msk $0xffff, v0  }
0x190: {  	[tilespmem:s8+$0x30] =	vst.add.f32.msk $0xffff, v2  }
0x191: {  	v0 =	vld [tilespmem:s9+$0x40]  }
0x192: {  	v2 =	vld [tilespmem:s18+$0x40];
	_ =	sdelay $0x1  }
0x193: {  	[tilespmem:s7+$0x30] =	vst.add.f32.msk $0xffff, v1  }
0x194: {  	v1 =	vld [tilespmem:s13+$0x40]  }
0x195: {  	[tilespmem:s10+$0x40] =	vst.add.f32.msk $0xffff, v0  }
0x196: {  	[tilespmem:s8+$0x40] =	vst.add.f32.msk $0xffff, v2  }
0x197: {  	v0 =	vld [tilespmem:s9+$0x50]  }
0x198: {  	v2 =	vld [tilespmem:s18+$0x50];
	_ =	sdelay $0x1  }
0x199: {  	[tilespmem:s7+$0x40] =	vst.add.f32.msk $0xffff, v1  }
0x19a: {  	v1 =	vld [tilespmem:s13+$0x50]  }
0x19b: {  	[tilespmem:s10+$0x50] =	vst.add.f32.msk $0xffff, v0  }
0x19c: {  	[tilespmem:s8+$0x50] =	vst.add.f32.msk $0xffff, v2  }
0x19d: {  	v0 =	vld [tilespmem:s9+$0x60]  }
0x19e: {  	v2 =	vld [tilespmem:s18+$0x60];
	_ =	sdelay $0x1  }
0x19f: {  	[tilespmem:s7+$0x50] =	vst.add.f32.msk $0xffff, v1  }
0x1a0: {  	v1 =	vld [tilespmem:s13+$0x60]  }
0x1a1: {  	[tilespmem:s10+$0x60] =	vst.add.f32.msk $0xffff, v0  }
0x1a2: {  	[tilespmem:s8+$0x60] =	vst.add.f32.msk $0xffff, v2  }
0x1a3: {  	v0 =	vld [tilespmem:s9+$0x70]  }
0x1a4: {  	v2 =	vld [tilespmem:s18+$0x70];
	_ =	sdelay $0x1  }
0x1a5: {  	[tilespmem:s7+$0x60] =	vst.add.f32.msk $0xffff, v1  }
0x1a6: {  	v1 =	vld [tilespmem:s13+$0x70]  }
0x1a7: {  	[tilespmem:s10+$0x70] =	vst.add.f32.msk $0xffff, v0  }
0x1a8: {  	[tilespmem:s8+$0x70] =	vst.add.f32.msk $0xffff, v2  }
0x1a9: {  	v0 =	vld [tilespmem:s9+$0x400]  }
0x1aa: {  	v2 =	vld [tilespmem:s18+$0x400]  }
0x1ab: {  	s13 =	sadd.s32 $0x1400, s28  }
0x1ac: {  	s28 =	smov.u32 s15;
	s15 =	sor.u32 s25, s13;
	s13 =	sor.u32 s26, s13;
	[tilespmem:s7+$0x70] =	vst.add.f32.msk $0xffff, v1  }
0x1ad: {  	v1 =	vld [tilespmem:s13+$0x0]  }
0x1ae: {  	[tilespmem:s10+$0x400] =	vst.add.f32.msk $0xffff, v0  }
0x1af: {  	[tilespmem:s8+$0x400] =	vst.add.f32.msk $0xffff, v2  }
0x1b0: {  	v0 =	vld [tilespmem:s9+$0x410]  }
0x1b1: {  	s7 =	sadd.s32 $0x7400, s29;
	v2 =	vld [tilespmem:s18+$0x410]  }
0x1b2: {  	s29 =	smov.u32 s0;
	s0 =	sadd.s32 s25, s7;
	s7 =	sadd.s32 s26, s7  }
0x1b3: {  	[tilespmem:s7+$0x0] =	vst.add.f32.msk $0xffff, v1  }
0x1b4: {  	v1 =	vld [tilespmem:s13+$0x10]  }
0x1b5: {  	[tilespmem:s10+$0x410] =	vst.add.f32.msk $0xffff, v0  }
0x1b6: {  	[tilespmem:s8+$0x410] =	vst.add.f32.msk $0xffff, v2  }
0x1b7: {  	v0 =	vld [tilespmem:s9+$0x420]  }
0x1b8: {  	v2 =	vld [tilespmem:s18+$0x420];
	_ =	sdelay $0x1  }
0x1b9: {  	[tilespmem:s7+$0x10] =	vst.add.f32.msk $0xffff, v1  }
0x1ba: {  	v1 =	vld [tilespmem:s13+$0x20]  }
0x1bb: {  	[tilespmem:s10+$0x420] =	vst.add.f32.msk $0xffff, v0  }
0x1bc: {  	[tilespmem:s8+$0x420] =	vst.add.f32.msk $0xffff, v2  }
0x1bd: {  	v0 =	vld [tilespmem:s9+$0x430]  }
0x1be: {  	v2 =	vld [tilespmem:s18+$0x430];
	_ =	sdelay $0x1  }
0x1bf: {  	[tilespmem:s7+$0x20] =	vst.add.f32.msk $0xffff, v1  }
0x1c0: {  	v1 =	vld [tilespmem:s13+$0x30]  }
0x1c1: {  	[tilespmem:s10+$0x430] =	vst.add.f32.msk $0xffff, v0  }
0x1c2: {  	[tilespmem:s8+$0x430] =	vst.add.f32.msk $0xffff, v2  }
0x1c3: {  	v0 =	vld [tilespmem:s9+$0x440]  }
0x1c4: {  	v2 =	vld [tilespmem:s18+$0x440];
	_ =	sdelay $0x1  }
0x1c5: {  	[tilespmem:s7+$0x30] =	vst.add.f32.msk $0xffff, v1  }
0x1c6: {  	v1 =	vld [tilespmem:s13+$0x40]  }
0x1c7: {  	[tilespmem:s10+$0x440] =	vst.add.f32.msk $0xffff, v0  }
0x1c8: {  	[tilespmem:s8+$0x440] =	vst.add.f32.msk $0xffff, v2  }
0x1c9: {  	v0 =	vld [tilespmem:s9+$0x450]  }
0x1ca: {  	v2 =	vld [tilespmem:s18+$0x450];
	_ =	sdelay $0x1  }
0x1cb: {  	[tilespmem:s7+$0x40] =	vst.add.f32.msk $0xffff, v1  }
0x1cc: {  	v1 =	vld [tilespmem:s13+$0x50]  }
0x1cd: {  	[tilespmem:s10+$0x450] =	vst.add.f32.msk $0xffff, v0  }
0x1ce: {  	[tilespmem:s8+$0x450] =	vst.add.f32.msk $0xffff, v2  }
0x1cf: {  	v0 =	vld [tilespmem:s9+$0x460]  }
0x1d0: {  	v2 =	vld [tilespmem:s18+$0x460];
	_ =	sdelay $0x1  }
0x1d1: {  	[tilespmem:s7+$0x50] =	vst.add.f32.msk $0xffff, v1  }
0x1d2: {  	v1 =	vld [tilespmem:s13+$0x60]  }
0x1d3: {  	[tilespmem:s10+$0x460] =	vst.add.f32.msk $0xffff, v0  }
0x1d4: {  	[tilespmem:s8+$0x460] =	vst.add.f32.msk $0xffff, v2  }
0x1d5: {  	v0 =	vld [tilespmem:s9+$0x470]  }
0x1d6: {  	v2 =	vld [tilespmem:s18+$0x470]  }
0x1d7: {  	[tilespmem:s7+$0x60] =	vst.add.f32.msk $0xffff, v1  }
0x1d8: {  	v1 =	vld [tilespmem:s13+$0x70];
	_ =	sdelay $0x1  }
0x1d9: {  	v3 =	vld [tilespmem:s16+$0x0]  }
0x1da: {  	[tilespmem:s10+$0x470] =	vst.add.f32.msk $0xffff, v0  }
0x1db: {  	s25 =	smov.u32 s11;
	s9 =	sadd.s32 $0x800, s28;
	[tilespmem:s8+$0x470] =	vst.add.f32.msk $0xffff, v2  }
0x1dc: {  	s26 =	smov.u32 s12;
	s10 =	sor.u32 s25, s9;
	[tilespmem:s7+$0x70] =	vst.add.f32.msk $0xffff, v1  }
0x1dd: {  	s11 =	sor.u32 s26, s9;
	v1 =	vld [tilespmem:s10+$0x0]  }
0x1de: {  	v0 =	vld [tilespmem:s11+$0x0];
	_ =	sdelay $0x1  }
0x1df: {  	s12 =	sadd.s32 $0x6800, s29;
	[tilespmem:s17+$0x0] =	vst.add.f32.msk $0xffff, v3  }
0x1e0: {  	s13 =	sadd.s32 s25, s12;
	v2 =	vld [tilespmem:s16+$0x10]  }
0x1e1: {  	s7 =	sadd.s32 s26, s12;
	[tilespmem:s13+$0x0] =	vst.add.f32.msk $0xffff, v1  }
0x1e2: {  	[tilespmem:s7+$0x0] =	vst.add.f32.msk $0xffff, v0  }
0x1e3: {  	v1 =	vld [tilespmem:s10+$0x10]  }
0x1e4: {  	v0 =	vld [tilespmem:s11+$0x10];
	_ =	sdelay $0x1  }
0x1e5: {  	[tilespmem:s17+$0x10] =	vst.add.f32.msk $0xffff, v2  }
0x1e6: {  	v2 =	vld [tilespmem:s16+$0x20]  }
0x1e7: {  	[tilespmem:s13+$0x10] =	vst.add.f32.msk $0xffff, v1  }
0x1e8: {  	[tilespmem:s7+$0x10] =	vst.add.f32.msk $0xffff, v0  }
0x1e9: {  	v1 =	vld [tilespmem:s10+$0x20]  }
0x1ea: {  	v0 =	vld [tilespmem:s11+$0x20];
	_ =	sdelay $0x1  }
0x1eb: {  	[tilespmem:s17+$0x20] =	vst.add.f32.msk $0xffff, v2  }
0x1ec: {  	v2 =	vld [tilespmem:s16+$0x30]  }
0x1ed: {  	[tilespmem:s13+$0x20] =	vst.add.f32.msk $0xffff, v1  }
0x1ee: {  	[tilespmem:s7+$0x20] =	vst.add.f32.msk $0xffff, v0  }
0x1ef: {  	v1 =	vld [tilespmem:s10+$0x30]  }
0x1f0: {  	v0 =	vld [tilespmem:s11+$0x30];
	_ =	sdelay $0x1  }
0x1f1: {  	[tilespmem:s17+$0x30] =	vst.add.f32.msk $0xffff, v2  }
0x1f2: {  	v2 =	vld [tilespmem:s16+$0x40]  }
0x1f3: {  	[tilespmem:s13+$0x30] =	vst.add.f32.msk $0xffff, v1  }
0x1f4: {  	[tilespmem:s7+$0x30] =	vst.add.f32.msk $0xffff, v0  }
0x1f5: {  	v1 =	vld [tilespmem:s10+$0x40]  }
0x1f6: {  	v0 =	vld [tilespmem:s11+$0x40];
	_ =	sdelay $0x1  }
0x1f7: {  	[tilespmem:s17+$0x40] =	vst.add.f32.msk $0xffff, v2  }
0x1f8: {  	v2 =	vld [tilespmem:s16+$0x50]  }
0x1f9: {  	[tilespmem:s13+$0x40] =	vst.add.f32.msk $0xffff, v1  }
0x1fa: {  	[tilespmem:s7+$0x40] =	vst.add.f32.msk $0xffff, v0  }
0x1fb: {  	v1 =	vld [tilespmem:s10+$0x50]  }
0x1fc: {  	v0 =	vld [tilespmem:s11+$0x50];
	_ =	sdelay $0x1  }
0x1fd: {  	[tilespmem:s17+$0x50] =	vst.add.f32.msk $0xffff, v2  }
0x1fe: {  	v2 =	vld [tilespmem:s16+$0x60]  }
0x1ff: {  	[tilespmem:s13+$0x50] =	vst.add.f32.msk $0xffff, v1  }
0x200: {  	[tilespmem:s7+$0x50] =	vst.add.f32.msk $0xffff, v0  }
0x201: {  	v1 =	vld [tilespmem:s10+$0x60]  }
0x202: {  	v0 =	vld [tilespmem:s11+$0x60];
	_ =	sdelay $0x1  }
0x203: {  	[tilespmem:s17+$0x60] =	vst.add.f32.msk $0xffff, v2  }
0x204: {  	v2 =	vld [tilespmem:s16+$0x70]  }
0x205: {  	[tilespmem:s13+$0x60] =	vst.add.f32.msk $0xffff, v1  }
0x206: {  	[tilespmem:s7+$0x60] =	vst.add.f32.msk $0xffff, v0  }
0x207: {  	v1 =	vld [tilespmem:s10+$0x70]  }
0x208: {  	v0 =	vld [tilespmem:s11+$0x70];
	_ =	sdelay $0x1  }
0x209: {  	[tilespmem:s17+$0x70] =	vst.add.f32.msk $0xffff, v2  }
0x20a: {  	v2 =	vld [tilespmem:s15+$0x0]  }
0x20b: {  	s17 =	sadd.s32 $0xC00, s28;
	[tilespmem:s13+$0x70] =	vst.add.f32.msk $0xffff, v1  }
0x20c: {  	s8 =	sor.u32 s25, s17;
	[tilespmem:s7+$0x70] =	vst.add.f32.msk $0xffff, v0  }
0x20d: {  	s9 =	sor.u32 s26, s17;
	v1 =	vld [tilespmem:s8+$0x0]  }
0x20e: {  	v0 =	vld [tilespmem:s9+$0x0];
	_ =	sdelay $0x1  }
0x20f: {  	s18 =	sadd.s32 $0x6C00, s29;
	[tilespmem:s0+$0x0] =	vst.add.f32.msk $0xffff, v2  }
0x210: {  	s17 =	sadd.s32 s25, s18;
	v2 =	vld [tilespmem:s15+$0x10]  }
0x211: {  	s10 =	sadd.s32 s26, s18;
	[tilespmem:s17+$0x0] =	vst.add.f32.msk $0xffff, v1  }
0x212: {  	[tilespmem:s10+$0x0] =	vst.add.f32.msk $0xffff, v0  }
0x213: {  	v1 =	vld [tilespmem:s8+$0x10]  }
0x214: {  	v0 =	vld [tilespmem:s9+$0x10];
	_ =	sdelay $0x1  }
0x215: {  	[tilespmem:s0+$0x10] =	vst.add.f32.msk $0xffff, v2  }
0x216: {  	v2 =	vld [tilespmem:s15+$0x20]  }
0x217: {  	[tilespmem:s17+$0x10] =	vst.add.f32.msk $0xffff, v1  }
0x218: {  	[tilespmem:s10+$0x10] =	vst.add.f32.msk $0xffff, v0  }
0x219: {  	v1 =	vld [tilespmem:s8+$0x20]  }
0x21a: {  	v0 =	vld [tilespmem:s9+$0x20];
	_ =	sdelay $0x1  }
0x21b: {  	[tilespmem:s0+$0x20] =	vst.add.f32.msk $0xffff, v2  }
0x21c: {  	v2 =	vld [tilespmem:s15+$0x30]  }
0x21d: {  	[tilespmem:s17+$0x20] =	vst.add.f32.msk $0xffff, v1  }
0x21e: {  	[tilespmem:s10+$0x20] =	vst.add.f32.msk $0xffff, v0  }
0x21f: {  	v1 =	vld [tilespmem:s8+$0x30]  }
0x220: {  	v0 =	vld [tilespmem:s9+$0x30];
	_ =	sdelay $0x1  }
0x221: {  	[tilespmem:s0+$0x30] =	vst.add.f32.msk $0xffff, v2  }
0x222: {  	v2 =	vld [tilespmem:s15+$0x40]  }
0x223: {  	[tilespmem:s17+$0x30] =	vst.add.f32.msk $0xffff, v1  }
0x224: {  	[tilespmem:s10+$0x30] =	vst.add.f32.msk $0xffff, v0  }
0x225: {  	v1 =	vld [tilespmem:s8+$0x40]  }
0x226: {  	v0 =	vld [tilespmem:s9+$0x40];
	_ =	sdelay $0x1  }
0x227: {  	[tilespmem:s0+$0x40] =	vst.add.f32.msk $0xffff, v2  }
0x228: {  	v2 =	vld [tilespmem:s15+$0x50]  }
0x229: {  	[tilespmem:s17+$0x40] =	vst.add.f32.msk $0xffff, v1  }
0x22a: {  	[tilespmem:s10+$0x40] =	vst.add.f32.msk $0xffff, v0  }
0x22b: {  	v3 =	vld [tilespmem:s8+$0x50]  }
0x22c: {  	v0 =	vld [tilespmem:s9+$0x50]  }
0x22d: {  	[tilespmem:s0+$0x50] =	vst.add.f32.msk $0xffff, v2  }
0x22e: {  	v2 =	vld [tilespmem:s15+$0x60]  }
0x22f: {  	p0 =	slt.u32 s14, $0xE  }
.Ltmp0:
0x230: {  	[tilespmem:s17+$0x50] =	vst.add.f32.msk $0xffff, v3;
	(pc) =	sbr.rel @p0 .LBB2_3-.Ltmp0, $4  }
0x231: {  	[tilespmem:s10+$0x50] =	vst.add.f32.msk $0xffff, v0  }
0x232: {  	v0 =	vld [tilespmem:s8+$0x60]  }
0x233: {  	[tilespmem:s0+$0x60] =	vst.add.f32.msk $0xffff, v2  }
0x234: {  	v1 =	vld [tilespmem:s9+$0x60]  }
0x235: {  	_ =	sdelay $0x1  }
0x236: {  	[tilespmem:s17+$0x60] =	vst.add.f32.msk $0xffff, v0  }
0x237: {  	v0 =	vld [tilespmem:s8+$0x70]  }
0x238: {  	[tilespmem:s10+$0x60] =	vst.add.f32.msk $0xffff, v1  }
0x239: {  	v1 =	vld [tilespmem:s9+$0x70];
	_ =	sdelay $0x1  }
0x23a: {  	s7 =	sadd.s32 $0x1000, s28  }
0x23b: {  	s13 =	sor.u32 s26, s7;
	s7 =	sor.u32 s25, s7;
	[tilespmem:s17+$0x70] =	vst.add.f32.msk $0xffff, v0  }
0x23c: {  	v0 =	vld [tilespmem:s7+$0x0]  }
0x23d: {  	[tilespmem:s10+$0x70] =	vst.add.f32.msk $0xffff, v1  }
0x23e: {  	v1 =	vld [tilespmem:s13+$0x0]  }
0x23f: {  	s14 =	sadd.s32 $0x7000, s29  }
0x240: {  	s9 =	sadd.s32 s25, s14  }
0x241: {  	[tilespmem:s9+$0x0] =	vst.add.f32.msk $0xffff, v0  }
0x242: {  	s16 =	sadd.s32 s26, s14;
	v0 =	vld [tilespmem:s7+$0x10]  }
0x243: {  	[tilespmem:s16+$0x0] =	vst.add.f32.msk $0xffff, v1  }
0x244: {  	v1 =	vld [tilespmem:s13+$0x10];
	_ =	sdelay $0x2  }
0x245: {  	[tilespmem:s9+$0x10] =	vst.add.f32.msk $0xffff, v0  }
0x246: {  	v0 =	vld [tilespmem:s7+$0x20]  }
0x247: {  	[tilespmem:s16+$0x10] =	vst.add.f32.msk $0xffff, v1  }
0x248: {  	v1 =	vld [tilespmem:s13+$0x20];
	_ =	sdelay $0x2  }
0x249: {  	[tilespmem:s9+$0x20] =	vst.add.f32.msk $0xffff, v0  }
0x24a: {  	v0 =	vld [tilespmem:s7+$0x30]  }
0x24b: {  	[tilespmem:s16+$0x20] =	vst.add.f32.msk $0xffff, v1  }
0x24c: {  	v1 =	vld [tilespmem:s13+$0x30];
	_ =	sdelay $0x2  }
0x24d: {  	[tilespmem:s9+$0x30] =	vst.add.f32.msk $0xffff, v0  }
0x24e: {  	v0 =	vld [tilespmem:s7+$0x40]  }
0x24f: {  	[tilespmem:s16+$0x30] =	vst.add.f32.msk $0xffff, v1  }
0x250: {  	v1 =	vld [tilespmem:s13+$0x40];
	_ =	sdelay $0x2  }
0x251: {  	[tilespmem:s9+$0x40] =	vst.add.f32.msk $0xffff, v0  }
0x252: {  	v0 =	vld [tilespmem:s7+$0x50]  }
0x253: {  	[tilespmem:s16+$0x40] =	vst.add.f32.msk $0xffff, v1  }
0x254: {  	v1 =	vld [tilespmem:s13+$0x50];
	_ =	sdelay $0x2  }
0x255: {  	[tilespmem:s9+$0x50] =	vst.add.f32.msk $0xffff, v0  }
0x256: {  	v0 =	vld [tilespmem:s7+$0x60]  }
0x257: {  	[tilespmem:s16+$0x50] =	vst.add.f32.msk $0xffff, v1  }
0x258: {  	v1 =	vld [tilespmem:s13+$0x60];
	_ =	sdelay $0x2  }
0x259: {  	[tilespmem:s9+$0x60] =	vst.add.f32.msk $0xffff, v0  }
0x25a: {  	v0 =	vld [tilespmem:s7+$0x70]  }
0x25b: {  	[tilespmem:s16+$0x60] =	vst.add.f32.msk $0xffff, v1  }
0x25c: {  	v1 =	vld [tilespmem:s13+$0x70];
	_ =	sdelay $0x1  }
0x25d: {  	s17 =	sadd.s32 $0x1400, s28  }
0x25e: {  	s7 =	sor.u32 s25, s17;
	[tilespmem:s9+$0x70] =	vst.add.f32.msk $0xffff, v0  }
0x25f: {  	v0 =	vld [tilespmem:s7+$0x0]  }
0x260: {  	s18 =	sor.u32 s26, s17;
	[tilespmem:s16+$0x70] =	vst.add.f32.msk $0xffff, v1  }
0x261: {  	v1 =	vld [tilespmem:s18+$0x0]  }
0x262: {  	s24 =	sadd.s32 $0x7400, s29  }
0x263: {  	s9 =	sadd.s32 s25, s24  }
0x264: {  	[tilespmem:s9+$0x0] =	vst.add.f32.msk $0xffff, v0  }
0x265: {  	s26 =	sadd.s32 s26, s24;
	v0 =	vld [tilespmem:s7+$0x10]  }
0x266: {  	[tilespmem:s26+$0x0] =	vst.add.f32.msk $0xffff, v1  }
0x267: {  	v1 =	vld [tilespmem:s18+$0x10];
	_ =	sdelay $0x2  }
0x268: {  	[tilespmem:s9+$0x10] =	vst.add.f32.msk $0xffff, v0  }
0x269: {  	v0 =	vld [tilespmem:s7+$0x20]  }
0x26a: {  	[tilespmem:s26+$0x10] =	vst.add.f32.msk $0xffff, v1  }
0x26b: {  	v1 =	vld [tilespmem:s18+$0x20];
	_ =	sdelay $0x2  }
0x26c: {  	[tilespmem:s9+$0x20] =	vst.add.f32.msk $0xffff, v0  }
0x26d: {  	v0 =	vld [tilespmem:s7+$0x30]  }
0x26e: {  	[tilespmem:s26+$0x20] =	vst.add.f32.msk $0xffff, v1  }
0x26f: {  	v1 =	vld [tilespmem:s18+$0x30];
	_ =	sdelay $0x2  }
0x270: {  	[tilespmem:s9+$0x30] =	vst.add.f32.msk $0xffff, v0  }
0x271: {  	v0 =	vld [tilespmem:s7+$0x40]  }
0x272: {  	[tilespmem:s26+$0x30] =	vst.add.f32.msk $0xffff, v1  }
0x273: {  	v1 =	vld [tilespmem:s18+$0x40];
	_ =	sdelay $0x2  }
0x274: {  	[tilespmem:s9+$0x40] =	vst.add.f32.msk $0xffff, v0  }
0x275: {  	v0 =	vld [tilespmem:s7+$0x50]  }
0x276: {  	[tilespmem:s26+$0x40] =	vst.add.f32.msk $0xffff, v1  }
0x277: {  	v1 =	vld [tilespmem:s18+$0x50];
	_ =	sdelay $0x2  }
0x278: {  	[tilespmem:s9+$0x50] =	vst.add.f32.msk $0xffff, v0  }
0x279: {  	v0 =	vld [tilespmem:s7+$0x60]  }
0x27a: {  	[tilespmem:s26+$0x50] =	vst.add.f32.msk $0xffff, v1  }
0x27b: {  	v1 =	vld [tilespmem:s18+$0x60];
	_ =	sdelay $0x1  }
0x27c: {  	v2 =	vld [tilespmem:s15+$0x70]  }
0x27d: {  	[tilespmem:s9+$0x60] =	vst.add.f32.msk $0xffff, v0  }
0x27e: {  	v0 =	vld [tilespmem:s7+$0x70]  }
0x27f: {  	s2 =	sshrl.u32 s2, $0x3;
	[tilespmem:s26+$0x60] =	vst.add.f32.msk $0xffff, v1  }
0x280: {  	p0 =	seq.s32 s21, $0x0;
	s2 =	smul.u32 $0x1800, s2;
	v1 =	vld [tilespmem:s18+$0x70]  }
0x281: {  	s8 =	sadd.s32 @!p0 $0xFFFFFFFF, s21;
	s28 =	smul.u32 $0x600000, s22  }
0x282: {  	s11 =	smulhi.u32 @!p0 $0xAAAAAAAB, s8  }
0x283: {  	[tilespmem:s0+$0x70] =	vst.add.f32.msk $0xffff, v2;
	s29 =	sadd.s32 s28, s2  }
0x284: {  	s2 =	sshrl.u32 @!p0 s11, $0x2;
	s0 =	sshrl.u32 s29, $0x3;
	[tilespmem:s9+$0x70] =	vst.add.f32.msk $0xffff, v0  }
0x285: {  	s30 =	sadd.s32 $0x7, s23;
	s2 =	smul.u32 @!p0 $0x6, s2;
	s0 =	sadd.s32 s5, s0;
	[tilespmem:s26+$0x70] =	vst.add.f32.msk $0xffff, v1  }
0x286: {  	[hbm4b:s0+s6] =	stream.linear.scatter [tilespmem:s31], [sflag:s30], $0x3000, $0x38;
	[tilespmem:$0x18000] =	vst v63  }
0x287: {  	s0 =	ssub.s32 @!p0 s8, s2  }
0x288: {  	s0 =	sadd.s32 @!p0 $0x7, s0  }
0x289: {  	p1 =	sgt.u32 @!p0 s21, $0x3A;
	_ =	swait.ge @!p0 [sflag:s0], $0x3000  }
0x28a: {  	p1 =	por p0, !p1;
	[sflag:s0] =	ssyncset.done @!p0 $0x0  }
0x28b: {  	[sflag:s0] =	ssyncadd.s32 @!p0 $0xFFFFD000;
	s0 =	sadd.s32 @p1 $0x5, s21  }
0x28c: {  	s2 =	smul.u32 @p1 $0xAB, s0;
	_ =	sdelay $0x1  }
0x28d: {  	s2 =	sshrl.u32 @p1 s2, $0xA  }
0x28e: {  	s7 =	sshll.u32 @p1 s0, $0x2;
	s2 =	sand.u32 @p1 $0x3F, s2  }
0x28f: {  	s7 =	sand.u32 @p1 $0x1F0, s7;
	s2 =	smul.u32 @p1 $0x6, s2  }
0x290: {  	s8 =	sand.u32 @p1 $0x3, s0;
	s7 =	sadd.s32 @p1 s4, s7  }
0x291: {  	s8 =	smul.u32 @p1 $0x600000, s8;
	s7 =	sshrl.u32 @p1 s7, $0x3;
	s0 =	ssub.s32 @p1 s0, s2  }
0x292: {  	s21 =	sadd.s32 $0x1, s21;
	s2 =	smul.u32 @p1 $0x1800, s7;
	s0 =	sand.u32 @p1 $0xFF, s0  }
0x293: {  	p0 =	sne.s32 s21, $0x40;
	s7 =	smul.u32 @p1 $0xC000, s0  }
.Ltmp1:
0x294: {  	_ = 	snop;
	(pc) =	sbr.rel @p0 .LBB2_2-.Ltmp1, $4  }
0x295: {  	s2 =	sadd.s32 @p1 s8, s2  }
0x296: {  	s2 =	sshrl.u32 @p1 s2, $0x3;
	s7 =	sshrl.u32 @p1 s7, $0x2  }
0x297: {  	s0 =	sadd.s32 @p1 $0x1, s0;
	s2 =	sadd.s32 @p1 s1, s2;
	s7 =	sadd.s32 @p1 $0x6000, s7  }
0x298: {  	[tilespmem:s7], [sflag:s0] =	stream.linear.gather @p1 [hbm4b:s2+s6], $0x3000, $0x38;
	[tilespmem:$0x18000] =	vst v63  }
0x299: {  	_ =	swait.ge [sflag:s19], $0x3000  }
0x29a: {  	s20 =	sadd.s32 $0x1, s20;
	s0 =	rddreg [dreg:$0xb]  }
0x29b: {  	p0 =	sne.s32 s20, s0  }
.Ltmp2:
0x29c: {  	_ = 	snop;
	(pc) =	sbr.rel @p0 .LBB2_1-.Ltmp2, $3  }
0x29d: {  	_ =	sdelay $0x1  }
0x29e: {  	[sflag:s19] =	ssyncset.done $0x0  }
0x29f: {  	[sflag:s19] =	ssyncadd.s32 $0xFFFFD000  }
0x2a0: {  	_ =	sfence.sel $0x180000  }
0x2a1: {  	[bflag:$0x0] =	sbarrier.arrive $0xFFFF  }
0x2a2: {  	_ =	strace $0x90000047  }
0x2a3: {  	s0 =	stileid.u32;
	[bflag:$0x2] =	sbarrier.arrive $0xFFFF  }
0x2a4: {  	p0 =	sne.s32 s0, $0x0;
	s0 =	rddreg [dreg:$0x3]  }
0x2a5: {  	s0 =	sadd.s32 @!p0 $0x100000, s0  }
0x2a6: {  	[sflag:s0] =	ssyncadd.tile.s32 @!p0 $0x1;
	_ =	shalt  }
.Lfunc_end2:
_tile_overlayer_lowered:
.L_overlay_start_2:
0x2a7: {  	(tag) =	ssettag $0x2  }
0x2a8: {  	s0 =	rddreg [dreg:$0x0];
	s2 =	stileid.u32  }
0x2a9: {  	s1 =	rddreg [dreg:$0x1];
	p0 =	sne.s32 s2, $0x0  }
0x2aa: {  	s3 =	rddreg [dreg:$0x2];
	[bflag:$0x3] =	sbarrier.arrive $0xFFFF;
	s2 =	simm.s32 @!p0 $0x1C0F  }
0x2ab: {  	[timem:s3], [sflag:s2] =	dma.local @!p0 [hbm:s0], s1  }
0x2ac: {  	s0 =	simm.s32 @!p0 $0xF  }
0x2ad: {  	_ =	swait.ge @!p0 [sflag:s0], s1  }
0x2ae: {  	s1 =	ssub.s32 @!p0 $0x0, s1;
	[sflag:s0] =	ssyncset.done @!p0 $0x0  }
0x2af: {  	[sflag:s0] =	ssyncadd.s32 @!p0 s1  }
0x2b0: {  	[bflag:$0x3] =	sbarrier.arrive $0xFFFF  }
0x2b1: {  	_ =	shalt  }

</sc_bundles>
